<compile_context>
chip_gen: v7x
topology: tpu7x:2x2x1
jax: 0.10.2.dev20260603
libtpu: 0.0.44.dev20260713+nightly
codegen_flags: <defaults>
</compile_context>

<pallas_src>
import functools

import jax
import jax.numpy as jnp
from jax import lax
from jax.experimental import pallas as pl
from jax.experimental.pallas import tpu as pltpu
from jax.experimental.pallas import tpu_sc as plsc

N = 10000
E = 320000
D = 128
H = 128
C = 2

NC = 2
NS = 16
NW = NC * NS
EPW = E // NW
K = 80
NCHUNK = EPW // K
NP = 10112
RPT = NP // NS
ZR = 8

BN = 5000
GRID = N // BN



def _sc_segsum_body(z_hbm, ei_hbm, out_hbm,
                    si_v, dst_v, rows_v, zbuf_v, acc_sh,
                    gsem, ssem, isem, sem_z):
    cid = lax.axis_index("c")
    sid = lax.axis_index("s")
    wid = cid * NS + sid

    base = wid * EPW

    def _schunk(c):
        return ei_hbm.at[pl.ds(base + c * K, K)]

    pltpu.sync_copy(_schunk(0), si_v.at[0])
    pltpu.sync_copy(_schunk(1), si_v.at[1])
    pltpu.async_copy(z_hbm.at[si_v.at[0]], rows_v.at[0], gsem.at[0])
    pltpu.async_copy(z_hbm.at[si_v.at[1]], rows_v.at[1], gsem.at[1])
    pltpu.async_copy(_schunk(2), si_v.at[2], isem.at[2])

    def _dfire(c, carry):
        pltpu.async_copy(ei_hbm.at[pl.ds(E + base + c * K, K)], dst_v.at[c],
                         sem_z)
        return carry

    def _ddrain(c, carry):
        pltpu.make_async_copy(ei_hbm.at[pl.ds(E + base, K)], dst_v.at[0],
                              sem_z).wait()
        return carry

    lax.fori_loop(0, NCHUNK, _dfire, 0)
    lax.fori_loop(0, NCHUNK, _ddrain, 0)

    def _zinit(t, carry):
        zbuf_v[t // 8, pl.ds((t % 8) * 16, 16)] = jnp.zeros((16,), jnp.float32)
        return carry

    lax.fori_loop(0, ZR * (H // 16), _zinit, 0)
    r0 = sid * RPT

    def _zfire(q, carry):
        pltpu.async_copy(zbuf_v, acc_sh.at[pl.ds(r0 + q * ZR, ZR)], sem_z)
        return carry

    def _zdrain(q, carry):
        pltpu.make_async_copy(zbuf_v, acc_sh.at[pl.ds(r0, ZR)], sem_z).wait()
        return carry

    lax.fori_loop(0, RPT // ZR, _zfire, 0)
    lax.fori_loop(0, RPT // ZR, _zdrain, 0)
    plsc.subcore_barrier()

    def _wait_gather(b):
        pltpu.make_async_copy(z_hbm.at[si_v.at[0]], rows_v.at[b], gsem.at[b]).wait()

    def _wait_scatter(b):
        pltpu.make_async_copy(rows_v.at[b], acc_sh.at[dst_v.at[0]], ssem.at[b]).wait()

    def _step(c, carry):
        b = c % 3
        b2 = (c + 2) % 3
        _wait_gather(b)
        pltpu.async_copy(rows_v.at[b], acc_sh.at[dst_v.at[c]], ssem.at[b],
                         add=True)

        @pl.when(c + 2 < NCHUNK)
        def _():
            pltpu.make_async_copy(_schunk(0), si_v.at[b2], isem.at[b2]).wait()

            @pl.when(c >= 1)
            def _():
                _wait_scatter(b2)

            pltpu.async_copy(z_hbm.at[si_v.at[b2]], rows_v.at[b2], gsem.at[b2])

        @pl.when(c + 3 < NCHUNK)
        def _():
            pltpu.async_copy(_schunk(c + 3), si_v.at[b], isem.at[b])

        return carry

    lax.fori_loop(0, NCHUNK, _step, 0)
    _wait_scatter((NCHUNK - 1) % 3)
    _wait_scatter((NCHUNK - 2) % 3)
    _wait_scatter((NCHUNK - 3) % 3)
    plsc.subcore_barrier()

    pltpu.sync_copy(acc_sh.at[pl.ds(r0, RPT)], out_hbm.at[cid, pl.ds(r0, RPT)])


@functools.cache
def _sc_segsum():
    return pl.kernel(
        _sc_segsum_body,
        out_type=jax.ShapeDtypeStruct((NC, NP, H), jnp.float32),
        mesh=plsc.VectorSubcoreMesh(core_axis_name="c", subcore_axis_name="s",
                                    num_cores=NC, num_subcores=NS),
        scratch_types=[
            pltpu.VMEM((3, K), jnp.int32),
            pltpu.VMEM((NCHUNK, K), jnp.int32),
            pltpu.VMEM((3, K, H), jnp.float32),
            pltpu.VMEM((ZR, H), jnp.float32),
            pltpu.VMEM_SHARED((NP, H), jnp.float32),
            pltpu.SemaphoreType.DMA((3,)),
            pltpu.SemaphoreType.DMA((3,)),
            pltpu.SemaphoreType.DMA((3,)),
            pltpu.SemaphoreType.DMA,
        ],
    )



def _proj_body(x_ref, w_ref, p_ref, cs_ref):
    i = pl.program_id(0)
    xb = x_ref[...]
    p_ref[...] = jnp.dot(xb, w_ref[...], preferred_element_type=jnp.float32)
    bs = jnp.broadcast_to(jnp.sum(xb, axis=0, keepdims=True), (8, H))

    @pl.when(i == 0)
    def _():
        cs_ref[...] = jnp.zeros((8, H), jnp.float32)

    cs_ref[...] += bs


def _comb_body(p_ref, pa_ref, pb_ref, cs_ref, wn_ref, wr_ref, b_ref, h_ref):
    neigh = jnp.dot(pa_ref[0] + pb_ref[0], wn_ref[...],
                    preferred_element_type=jnp.float32)
    read = jnp.dot(cs_ref[0:1, :], wr_ref[...], preferred_element_type=jnp.float32)
    h = p_ref[...] + neigh + read + b_ref[...]
    h_ref[...] = jnp.maximum(h, 0.0)


def _fin_body(p_ref, parts_ref, cs_ref, wn_ref, wr_ref, b_ref,
              wo_ref, bo_ref, o_ref):
    neigh = jnp.dot(parts_ref[0, :N, :] + parts_ref[1, :N, :], wn_ref[...],
                    preferred_element_type=jnp.float32)
    read = jnp.dot(cs_ref[0:1, :], wr_ref[...], preferred_element_type=jnp.float32)
    h = p_ref[...] + neigh + read + b_ref[...]
    h = jnp.maximum(h, 0.0)
    logits_t = lax.dot_general(wo_ref[...], h, (((0,), (1,)), ((), ())),
                               preferred_element_type=jnp.float32) + bo_ref[...]
    o_ref[...] = 1.0 / (1.0 + jnp.exp(-logits_t))


_row_spec = pl.BlockSpec((BN, H), lambda i: (i, 0))
_w_spec = pl.BlockSpec((H, H), lambda i: (0, 0))
_v_spec = pl.BlockSpec((1, H), lambda i: (0, 0))
_cs_spec = pl.BlockSpec((8, H), lambda i: (0, 0))
_part0_spec = pl.BlockSpec((1, BN, H), lambda i: (0, i, 0))
_part1_spec = pl.BlockSpec((1, BN, H), lambda i: (1, i, 0))

_proj = pl.pallas_call(
    _proj_body,
    grid=(GRID,),
    in_specs=[_row_spec, _w_spec],
    out_specs=[_row_spec, _cs_spec],
    out_shape=[
        jax.ShapeDtypeStruct((N, H), jnp.float32),
        jax.ShapeDtypeStruct((8, H), jnp.float32),
    ],
)

_comb = pl.pallas_call(
    _comb_body,
    grid=(GRID,),
    in_specs=[_row_spec, _part0_spec, _part1_spec, _cs_spec, _w_spec, _w_spec,
              _v_spec],
    out_specs=_row_spec,
    out_shape=jax.ShapeDtypeStruct((N, H), jnp.float32),
)

_fin = pl.pallas_call(
    _fin_body,
    out_shape=jax.ShapeDtypeStruct((C, N), jnp.float32),
)


@jax.jit
def kernel(x, edge_index, W_self_0, W_neigh_0, W_read_0, b_0,
           W_self_1, W_neigh_1, W_read_1, b_1, W_out, b_out):
    ei = edge_index.reshape(2 * E)

    parts0 = _sc_segsum()(x, ei)
    p0, cs0 = _proj(x, W_self_0)
    h0 = _comb(p0, parts0, parts0, cs0, W_neigh_0, W_read_0, b_0.reshape(1, H))
    parts1 = _sc_segsum()(h0, ei)
    p1, cs1 = _proj(h0, W_self_1)
    out_t = _fin(p1, parts1, cs1, W_neigh_1, W_read_1,
                 b_1.reshape(1, H), W_out, b_out.reshape(C, 1))
    return out_t.T

# --- scband reference (transcript-rebuilt; emitter-appended) ---
"""Pipeline reference for scband-myacrgnn-node-prim-50019189129419 (READ-ONLY COPY).

The authoritative reference and input builder live on the scoring server;
editing this copy changes nothing except your own understanding.
"""

import jax, jax.numpy as jnp
import numpy as np

N = 10000
E = 320000
D = 128
H = 128
C = 2


def setup_inputs(seed: int = 0) -> dict:
    key = jax.random.key(seed)
    ks = jax.random.split(key, 12)
    x = jax.random.normal(ks[0], (N, D), dtype=jnp.float32)
    edge_index = jax.random.randint(ks[1], (2, E), 0, N, dtype=jnp.int32)
    s = 1.0 / np.sqrt(D)
    # Layer 0 params (ACR conv: self-combine, neighbor-aggregate, global-readout)
    W_self_0 = jax.random.normal(ks[2], (D, H), dtype=jnp.float32) * s
    W_neigh_0 = jax.random.normal(ks[3], (D, H), dtype=jnp.float32) * s
    W_read_0 = jax.random.normal(ks[4], (D, H), dtype=jnp.float32) * s
    b_0 = jnp.zeros((H,), dtype=jnp.float32)
    # Layer 1 params
    sh = 1.0 / np.sqrt(H)
    W_self_1 = jax.random.normal(ks[5], (H, H), dtype=jnp.float32) * sh
    W_neigh_1 = jax.random.normal(ks[6], (H, H), dtype=jnp.float32) * sh
    W_read_1 = jax.random.normal(ks[7], (H, H), dtype=jnp.float32) * sh
    b_1 = jnp.zeros((H,), dtype=jnp.float32)
    # Final classifier
    W_out = jax.random.uniform(ks[8], (H, C), dtype=jnp.float32, minval=-1.0, maxval=1.0)
    b_out = jax.random.uniform(ks[9], (C,), dtype=jnp.float32, minval=-1.0, maxval=1.0)
    return {"x": x, "edge_index": edge_index,
            "W_self_0": W_self_0, "W_neigh_0": W_neigh_0, "W_read_0": W_read_0, "b_0": b_0,
            "W_self_1": W_self_1, "W_neigh_1": W_neigh_1, "W_read_1": W_read_1, "b_1": b_1,
            "W_out": W_out, "b_out": b_out}


def _acr_layer(x, edge_index, W_self, W_neigh, W_read, b):
    src = edge_index[0]
    dst = edge_index[1]
    # neighbor aggregation: scatter-add of source features into destination nodes
    msgs = jnp.take(x, src, axis=0)
    neigh = jax.ops.segment_sum(msgs, dst, num_segments=N)
    # global additive readout broadcast to every node (ACR = aggregate-combine-readout)
    read = jnp.sum(x, axis=0, keepdims=True)
    h = x @ W_self + neigh @ W_neigh + read @ W_read + b
    return jax.nn.relu(h)


def reference(x, edge_index, W_self_0, W_neigh_0, W_read_0, b_0,
              W_self_1, W_neigh_1, W_read_1, b_1, W_out, b_out):
    h = _acr_layer(x, edge_index, W_self_0, W_neigh_0, W_read_0, b_0)
    h = _acr_layer(h, edge_index, W_self_1, W_neigh_1, W_read_1, b_1)
    logits = h @ W_out + b_out
    return jax.nn.sigmoid(logits)

if __name__ == "__main__":
    import jax
    _d = setup_inputs()
    print(jax.jit(kernel)(*tuple(_d.values())))

</pallas_src>

<mosaic_0001>
#map = affine_map<(d0, d1) -> (0, 0)>
#map1 = affine_map<(d0, d1) -> (0)>
#map2 = affine_map<(d0, d1) -> (0, 0, 0)>
module attributes {stable_mosaic.version = 14 : i64} {
  func.func @_sc_segsum_body(%arg0: i32, %arg1: i32, %arg2: memref<10000x128xf32, #tpu.memory_space<hbm>>, %arg3: memref<640000xi32, #tpu.memory_space<hbm>>, %arg4: memref<2x10112x128xf32, #tpu.memory_space<hbm>>, %arg5: memref<3x80xi32, #tpu.memory_space<vmem>>, %arg6: memref<125x80xi32, #tpu.memory_space<vmem>>, %arg7: memref<3x80x128xf32, #tpu.memory_space<vmem>>, %arg8: memref<8x128xf32, #tpu.memory_space<vmem>>, %arg9: memref<10112x128xf32, #tpu.memory_space<vmem_shared>>, %arg10: memref<3x!tpu.dma_semaphore, #tpu.memory_space<semaphore_mem>>, %arg11: memref<3x!tpu.dma_semaphore, #tpu.memory_space<semaphore_mem>>, %arg12: memref<3x!tpu.dma_semaphore, #tpu.memory_space<semaphore_mem>>, %arg13: memref<!tpu.dma_semaphore, #tpu.memory_space<semaphore_mem>>) attributes {dimension_semantics = [#tpu.dimension_semantics<core_parallel>, #tpu.dimension_semantics<subcore_parallel>], iteration_bounds = array<i64: 2, 16>, scalar_prefetch = 0 : i64, scratch_operands = 9 : i64, tpu.core_type = #tpu.core_type<sc_vector_subcore>, window_params = [{transform_indices = #map}, {transform_indices = #map1}, {transform_indices = #map2}]} {
    %mul3A = arith.constant 16 : i32
    %mul3A_0 = arith.muli %arg0, %mul3A : i32
    %add3A = arith.addi %mul3A_0, %arg1 : i32
    %mul3A_1 = arith.constant 10000 : i32
    %mul3A_2 = arith.muli %add3A, %mul3A_1 : i32
    %add3A_3 = arith.constant 0 : i32
    %add3A_4 = arith.addi %mul3A_2, %add3A_3 : i32
    %run_scoped3A = arith.constant 0 : i32
    "tpu.region"() ({
      %run_scoped3A_133 = tpu.sem_alloc : memref<!tpu.dma_semaphore, #tpu.memory_space<semaphore_mem>>
      %dma_start3A_134 = arith.constant 0 : i32
      %dma_start3A_135 = tpu.memref_slice %arg5[%run_scoped3A, %dma_start3A_134] : memref<3x80xi32, #tpu.memory_space<vmem>> -> memref<1x80xi32, #tpu.memory_space<vmem>>
      %dma_start3A_136 = tpu.memref_squeeze %dma_start3A_135 : memref<1x80xi32, #tpu.memory_space<vmem>> -> memref<80xi32, #tpu.memory_space<vmem>>
      %dma_start3A_137 = tpu.memref_slice %arg3[%add3A_4] : memref<640000xi32, #tpu.memory_space<hbm>> -> memref<80xi32, #tpu.memory_space<hbm>>
      %dma_start3A_138 = arith.constant 0 : i32
      %dma_start3A_139 = tpu.memref_slice %arg5[%run_scoped3A, %dma_start3A_138] : memref<3x80xi32, #tpu.memory_space<vmem>> -> memref<1x80xi32, #tpu.memory_space<vmem>>
      %dma_start3A_140 = tpu.memref_squeeze %dma_start3A_139 : memref<1x80xi32, #tpu.memory_space<vmem>> -> memref<80xi32, #tpu.memory_space<vmem>>
      %dma_start3A_141 = tpu.memref_slice %arg3[%add3A_4] : memref<640000xi32, #tpu.memory_space<hbm>> -> memref<80xi32, #tpu.memory_space<hbm>>
      tpu.enqueue_dma source(%dma_start3A_141 : memref<80xi32, #tpu.memory_space<hbm>>) target(%dma_start3A_140 : memref<80xi32, #tpu.memory_space<vmem>>) target_semaphore(%run_scoped3A_133 : memref<!tpu.dma_semaphore, #tpu.memory_space<semaphore_mem>>)
      %dma_wait3A_142 = arith.constant 0 : i32
      %dma_wait3A_143 = tpu.memref_slice %arg5[%run_scoped3A, %dma_wait3A_142] : memref<3x80xi32, #tpu.memory_space<vmem>> -> memref<1x80xi32, #tpu.memory_space<vmem>>
      %dma_wait3A_144 = tpu.memref_squeeze %dma_wait3A_143 : memref<1x80xi32, #tpu.memory_space<vmem>> -> memref<80xi32, #tpu.memory_space<vmem>>
      %dma_wait3A_145 = tpu.memref_slice %arg3[%add3A_4] : memref<640000xi32, #tpu.memory_space<hbm>> -> memref<80xi32, #tpu.memory_space<hbm>>
      %dma_wait3A_146 = arith.constant 0 : i32
      %dma_wait3A_147 = tpu.memref_slice %arg5[%run_scoped3A, %dma_wait3A_146] : memref<3x80xi32, #tpu.memory_space<vmem>> -> memref<1x80xi32, #tpu.memory_space<vmem>>
      %dma_wait3A_148 = tpu.memref_squeeze %dma_wait3A_147 : memref<1x80xi32, #tpu.memory_space<vmem>> -> memref<80xi32, #tpu.memory_space<vmem>>
      %dma_wait3A_149 = tpu.memref_slice %arg3[%add3A_4] : memref<640000xi32, #tpu.memory_space<hbm>> -> memref<80xi32, #tpu.memory_space<hbm>>
      tpu.wait_dma2 semaphore(%run_scoped3A_133 : memref<!tpu.dma_semaphore, #tpu.memory_space<semaphore_mem>>) src(%dma_wait3A_149 : memref<80xi32, #tpu.memory_space<hbm>>) dst(%dma_wait3A_148 : memref<80xi32, #tpu.memory_space<vmem>>)
      tpu.yield
    }) : () -> ()
    %add3A_5 = arith.constant 80 : i32
    %add3A_6 = arith.addi %mul3A_2, %add3A_5 : i32
    %run_scoped3A_7 = arith.constant 1 : i32
    "tpu.region"() ({
      %run_scoped3A_133 = tpu.sem_alloc : memref<!tpu.dma_semaphore, #tpu.memory_space<semaphore_mem>>
      %dma_start3A_134 = arith.constant 0 : i32
      %dma_start3A_135 = tpu.memref_slice %arg5[%run_scoped3A_7, %dma_start3A_134] : memref<3x80xi32, #tpu.memory_space<vmem>> -> memref<1x80xi32, #tpu.memory_space<vmem>>
      %dma_start3A_136 = tpu.memref_squeeze %dma_start3A_135 : memref<1x80xi32, #tpu.memory_space<vmem>> -> memref<80xi32, #tpu.memory_space<vmem>>
      %dma_start3A_137 = tpu.memref_slice %arg3[%add3A_6] : memref<640000xi32, #tpu.memory_space<hbm>> -> memref<80xi32, #tpu.memory_space<hbm>>
      %dma_start3A_138 = arith.constant 0 : i32
      %dma_start3A_139 = tpu.memref_slice %arg5[%run_scoped3A_7, %dma_start3A_138] : memref<3x80xi32, #tpu.memory_space<vmem>> -> memref<1x80xi32, #tpu.memory_space<vmem>>
      %dma_start3A_140 = tpu.memref_squeeze %dma_start3A_139 : memref<1x80xi32, #tpu.memory_space<vmem>> -> memref<80xi32, #tpu.memory_space<vmem>>
      %dma_start3A_141 = tpu.memref_slice %arg3[%add3A_6] : memref<640000xi32, #tpu.memory_space<hbm>> -> memref<80xi32, #tpu.memory_space<hbm>>
      tpu.enqueue_dma source(%dma_start3A_141 : memref<80xi32, #tpu.memory_space<hbm>>) target(%dma_start3A_140 : memref<80xi32, #tpu.memory_space<vmem>>) target_semaphore(%run_scoped3A_133 : memref<!tpu.dma_semaphore, #tpu.memory_space<semaphore_mem>>)
      %dma_wait3A_142 = arith.constant 0 : i32
      %dma_wait3A_143 = tpu.memref_slice %arg5[%run_scoped3A_7, %dma_wait3A_142] : memref<3x80xi32, #tpu.memory_space<vmem>> -> memref<1x80xi32, #tpu.memory_space<vmem>>
      %dma_wait3A_144 = tpu.memref_squeeze %dma_wait3A_143 : memref<1x80xi32, #tpu.memory_space<vmem>> -> memref<80xi32, #tpu.memory_space<vmem>>
      %dma_wait3A_145 = tpu.memref_slice %arg3[%add3A_6] : memref<640000xi32, #tpu.memory_space<hbm>> -> memref<80xi32, #tpu.memory_space<hbm>>
      %dma_wait3A_146 = arith.constant 0 : i32
      %dma_wait3A_147 = tpu.memref_slice %arg5[%run_scoped3A_7, %dma_wait3A_146] : memref<3x80xi32, #tpu.memory_space<vmem>> -> memref<1x80xi32, #tpu.memory_space<vmem>>
      %dma_wait3A_148 = tpu.memref_squeeze %dma_wait3A_147 : memref<1x80xi32, #tpu.memory_space<vmem>> -> memref<80xi32, #tpu.memory_space<vmem>>
      %dma_wait3A_149 = tpu.memref_slice %arg3[%add3A_6] : memref<640000xi32, #tpu.memory_space<hbm>> -> memref<80xi32, #tpu.memory_space<hbm>>
      tpu.wait_dma2 semaphore(%run_scoped3A_133 : memref<!tpu.dma_semaphore, #tpu.memory_space<semaphore_mem>>) src(%dma_wait3A_149 : memref<80xi32, #tpu.memory_space<hbm>>) dst(%dma_wait3A_148 : memref<80xi32, #tpu.memory_space<vmem>>)
      tpu.yield
    }) : () -> ()
    %dma_start3A = arith.constant 0 : i32
    %dma_start3A_8 = arith.constant 0 : i32
    %dma_start3A_9 = arith.constant 0 : i32
    %dma_start3A_10 = arith.constant 0 : i32
    %dma_start3A_11 = arith.constant 0 : i32
    %dma_start3A_12 = tpu.memref_slice %arg7[%dma_start3A_8, %dma_start3A_10, %dma_start3A_11] : memref<3x80x128xf32, #tpu.memory_space<vmem>> -> memref<1x80x128xf32, #tpu.memory_space<vmem>>
    %dma_start3A_13 = tpu.memref_squeeze %dma_start3A_12 : memref<1x80x128xf32, #tpu.memory_space<vmem>> -> memref<80x128xf32, #tpu.memory_space<vmem>>
    %dma_start3A_14 = arith.constant 0 : i32
    %dma_start3A_15 = tpu.memref_slice %arg5[%dma_start3A, %dma_start3A_14] : memref<3x80xi32, #tpu.memory_space<vmem>> -> memref<1x80xi32, #tpu.memory_space<vmem>>
    %dma_start3A_16 = tpu.memref_squeeze %dma_start3A_15 : memref<1x80xi32, #tpu.memory_space<vmem>> -> memref<80xi32, #tpu.memory_space<vmem>>
    %dma_start3A_17 = arith.constant 0 : i32
    %dma_start3A_18 = arith.constant 0 : i32
    %dma_start3A_19 = tpu.memref_slice %arg2[%dma_start3A_17, %dma_start3A_18] : memref<10000x128xf32, #tpu.memory_space<hbm>> -> memref<10000x128xf32, #tpu.memory_space<hbm>>
    %dma_start3A_20 = tpu.memref_slice %arg10[%dma_start3A_9] : memref<3x!tpu.dma_semaphore, #tpu.memory_space<semaphore_mem>> -> memref<1x!tpu.dma_semaphore, #tpu.memory_space<semaphore_mem>>
    %dma_start3A_21 = tpu.memref_squeeze %dma_start3A_20 : memref<1x!tpu.dma_semaphore, #tpu.memory_space<semaphore_mem>> -> memref<!tpu.dma_semaphore, #tpu.memory_space<semaphore_mem>>
    tpu.enqueue_indirect_dma source(%dma_start3A_19 : memref<10000x128xf32, #tpu.memory_space<hbm>>) target(%dma_start3A_13 : memref<80x128xf32, #tpu.memory_space<vmem>>) offsets(%dma_start3A_16 : memref<80xi32, #tpu.memory_space<vmem>>) semaphore(%dma_start3A_21 : memref<!tpu.dma_semaphore, #tpu.memory_space<semaphore_mem>>)
    %dma_start3A_22 = arith.constant 1 : i32
    %dma_start3A_23 = arith.constant 1 : i32
    %dma_start3A_24 = arith.constant 1 : i32
    %dma_start3A_25 = arith.constant 0 : i32
    %dma_start3A_26 = arith.constant 0 : i32
    %dma_start3A_27 = tpu.memref_slice %arg7[%dma_start3A_23, %dma_start3A_25, %dma_start3A_26] : memref<3x80x128xf32, #tpu.memory_space<vmem>> -> memref<1x80x128xf32, #tpu.memory_space<vmem>>
    %dma_start3A_28 = tpu.memref_squeeze %dma_start3A_27 : memref<1x80x128xf32, #tpu.memory_space<vmem>> -> memref<80x128xf32, #tpu.memory_space<vmem>>
    %dma_start3A_29 = arith.constant 0 : i32
    %dma_start3A_30 = tpu.memref_slice %arg5[%dma_start3A_22, %dma_start3A_29] : memref<3x80xi32, #tpu.memory_space<vmem>> -> memref<1x80xi32, #tpu.memory_space<vmem>>
    %dma_start3A_31 = tpu.memref_squeeze %dma_start3A_30 : memref<1x80xi32, #tpu.memory_space<vmem>> -> memref<80xi32, #tpu.memory_space<vmem>>
    %dma_start3A_32 = arith.constant 0 : i32
    %dma_start3A_33 = arith.constant 0 : i32
    %dma_start3A_34 = tpu.memref_slice %arg2[%dma_start3A_32, %dma_start3A_33] : memref<10000x128xf32, #tpu.memory_space<hbm>> -> memref<10000x128xf32, #tpu.memory_space<hbm>>
    %dma_start3A_35 = tpu.memref_slice %arg10[%dma_start3A_24] : memref<3x!tpu.dma_semaphore, #tpu.memory_space<semaphore_mem>> -> memref<1x!tpu.dma_semaphore, #tpu.memory_space<semaphore_mem>>
    %dma_start3A_36 = tpu.memref_squeeze %dma_start3A_35 : memref<1x!tpu.dma_semaphore, #tpu.memory_space<semaphore_mem>> -> memref<!tpu.dma_semaphore, #tpu.memory_space<semaphore_mem>>
    tpu.enqueue_indirect_dma source(%dma_start3A_34 : memref<10000x128xf32, #tpu.memory_space<hbm>>) target(%dma_start3A_28 : memref<80x128xf32, #tpu.memory_space<vmem>>) offsets(%dma_start3A_31 : memref<80xi32, #tpu.memory_space<vmem>>) semaphore(%dma_start3A_36 : memref<!tpu.dma_semaphore, #tpu.memory_space<semaphore_mem>>)
    %add3A_37 = arith.constant 160 : i32
    %add3A_38 = arith.addi %mul3A_2, %add3A_37 : i32
    %dma_start3A_39 = arith.constant 2 : i32
    %dma_start3A_40 = arith.constant 2 : i32
    %dma_start3A_41 = arith.constant 0 : i32
    %dma_start3A_42 = tpu.memref_slice %arg5[%dma_start3A_39, %dma_start3A_41] : memref<3x80xi32, #tpu.memory_space<vmem>> -> memref<1x80xi32, #tpu.memory_space<vmem>>
    %dma_start3A_43 = tpu.memref_squeeze %dma_start3A_42 : memref<1x80xi32, #tpu.memory_space<vmem>> -> memref<80xi32, #tpu.memory_space<vmem>>
    %dma_start3A_44 = tpu.memref_slice %arg3[%add3A_38] : memref<640000xi32, #tpu.memory_space<hbm>> -> memref<80xi32, #tpu.memory_space<hbm>>
    %dma_start3A_45 = tpu.memref_slice %arg12[%dma_start3A_40] : memref<3x!tpu.dma_semaphore, #tpu.memory_space<semaphore_mem>> -> memref<1x!tpu.dma_semaphore, #tpu.memory_space<semaphore_mem>>
    %dma_start3A_46 = tpu.memref_squeeze %dma_start3A_45 : memref<1x!tpu.dma_semaphore, #tpu.memory_space<semaphore_mem>> -> memref<!tpu.dma_semaphore, #tpu.memory_space<semaphore_mem>>
    %dma_start3A_47 = arith.constant 0 : i32
    %dma_start3A_48 = tpu.memref_slice %arg5[%dma_start3A_39, %dma_start3A_47] : memref<3x80xi32, #tpu.memory_space<vmem>> -> memref<1x80xi32, #tpu.memory_space<vmem>>
    %dma_start3A_49 = tpu.memref_squeeze %dma_start3A_48 : memref<1x80xi32, #tpu.memory_space<vmem>> -> memref<80xi32, #tpu.memory_space<vmem>>
    %dma_start3A_50 = tpu.memref_slice %arg3[%add3A_38] : memref<640000xi32, #tpu.memory_space<hbm>> -> memref<80xi32, #tpu.memory_space<hbm>>
    tpu.enqueue_dma source(%dma_start3A_50 : memref<80xi32, #tpu.memory_space<hbm>>) target(%dma_start3A_49 : memref<80xi32, #tpu.memory_space<vmem>>) target_semaphore(%dma_start3A_46 : memref<!tpu.dma_semaphore, #tpu.memory_space<semaphore_mem>>)
    %scan3A = arith.constant 0 : i32
    %scan3A_51 = arith.constant 0 : i32
    %scan3A_52 = arith.constant 125 : i32
    %scan3A_53 = arith.addi %scan3A_51, %scan3A_52 : i32
    %scan3A_54 = arith.constant 1 : i32
    scf.for %scan3A_133 = %scan3A_51 to %scan3A_53 step %scan3A_54  : i32 {
      %add3A_134 = arith.constant 320000 : i32
      %add3A_135 = arith.addi %add3A_134, %mul3A_2 : i32
      %mul3A_136 = arith.constant 80 : i32
      %mul3A_137 = arith.muli %scan3A_133, %mul3A_136 : i32
      %add3A_138 = arith.addi %add3A_135, %mul3A_137 : i32
      %dma_start3A_139 = arith.constant 0 : i32
      %dma_start3A_140 = tpu.memref_slice %arg6[%scan3A_133, %dma_start3A_139] : memref<125x80xi32, #tpu.memory_space<vmem>> -> memref<1x80xi32, #tpu.memory_space<vmem>>
      %dma_start3A_141 = tpu.memref_squeeze %dma_start3A_140 : memref<1x80xi32, #tpu.memory_space<vmem>> -> memref<80xi32, #tpu.memory_space<vmem>>
      %dma_start3A_142 = tpu.memref_slice %arg3[%add3A_138] : memref<640000xi32, #tpu.memory_space<hbm>> -> memref<80xi32, #tpu.memory_space<hbm>>
      %dma_start3A_143 = arith.constant 0 : i32
      %dma_start3A_144 = tpu.memref_slice %arg6[%scan3A_133, %dma_start3A_143] : memref<125x80xi32, #tpu.memory_space<vmem>> -> memref<1x80xi32, #tpu.memory_space<vmem>>
      %dma_start3A_145 = tpu.memref_squeeze %dma_start3A_144 : memref<1x80xi32, #tpu.memory_space<vmem>> -> memref<80xi32, #tpu.memory_space<vmem>>
      %dma_start3A_146 = tpu.memref_slice %arg3[%add3A_138] : memref<640000xi32, #tpu.memory_space<hbm>> -> memref<80xi32, #tpu.memory_space<hbm>>
      tpu.enqueue_dma source(%dma_start3A_146 : memref<80xi32, #tpu.memory_space<hbm>>) target(%dma_start3A_145 : memref<80xi32, #tpu.memory_space<vmem>>) target_semaphore(%arg13 : memref<!tpu.dma_semaphore, #tpu.memory_space<semaphore_mem>>)
    }
    %scan3A_55 = arith.constant 125 : i32
    %scan3A_56 = arith.constant 0 : i32
    %scan3A_57 = arith.constant 0 : i32
    %scan3A_58 = arith.constant 125 : i32
    %scan3A_59 = arith.addi %scan3A_57, %scan3A_58 : i32
    %scan3A_60 = arith.constant 1 : i32
    scf.for %scan3A_133 = %scan3A_57 to %scan3A_59 step %scan3A_60  : i32 {
      %add3A_134 = arith.constant 320000 : i32
      %add3A_135 = arith.addi %add3A_134, %mul3A_2 : i32
      %dma_wait3A_136 = arith.constant 0 : i32
      %dma_wait3A_137 = arith.constant 0 : i32
      %dma_wait3A_138 = tpu.memref_slice %arg6[%dma_wait3A_136, %dma_wait3A_137] : memref<125x80xi32, #tpu.memory_space<vmem>> -> memref<1x80xi32, #tpu.memory_space<vmem>>
      %dma_wait3A_139 = tpu.memref_squeeze %dma_wait3A_138 : memref<1x80xi32, #tpu.memory_space<vmem>> -> memref<80xi32, #tpu.memory_space<vmem>>
      %dma_wait3A_140 = tpu.memref_slice %arg3[%add3A_135] : memref<640000xi32, #tpu.memory_space<hbm>> -> memref<80xi32, #tpu.memory_space<hbm>>
      %dma_wait3A_141 = arith.constant 0 : i32
      %dma_wait3A_142 = tpu.memref_slice %arg6[%dma_wait3A_136, %dma_wait3A_141] : memref<125x80xi32, #tpu.memory_space<vmem>> -> memref<1x80xi32, #tpu.memory_space<vmem>>
      %dma_wait3A_143 = tpu.memref_squeeze %dma_wait3A_142 : memref<1x80xi32, #tpu.memory_space<vmem>> -> memref<80xi32, #tpu.memory_space<vmem>>
      %dma_wait3A_144 = tpu.memref_slice %arg3[%add3A_135] : memref<640000xi32, #tpu.memory_space<hbm>> -> memref<80xi32, #tpu.memory_space<hbm>>
      tpu.wait_dma2 semaphore(%arg13 : memref<!tpu.dma_semaphore, #tpu.memory_space<semaphore_mem>>) src(%dma_wait3A_144 : memref<80xi32, #tpu.memory_space<hbm>>) dst(%dma_wait3A_143 : memref<80xi32, #tpu.memory_space<vmem>>)
    }
    %scan3A_61 = arith.constant 125 : i32
    %scan3A_62 = arith.constant 0 : i32
    %scan3A_63 = arith.constant 0 : i32
    %scan3A_64 = arith.constant 64 : i32
    %scan3A_65 = arith.addi %scan3A_63, %scan3A_64 : i32
    %scan3A_66 = arith.constant 1 : i32
    scf.for %scan3A_133 = %scan3A_63 to %scan3A_65 step %scan3A_66  : i32 {
      %broadcast_in_dim3A = arith.constant 0.000000e+00 : f32
      %broadcast_in_dim3A_134 = vector.broadcast %broadcast_in_dim3A : f32 to vector<16xf32>
      %jit3A = arith.constant 8 : i32
      %div3A = arith.divsi %scan3A_133, %jit3A : i32
      %sign3A = arith.constant 0 : i32
      %sign3A_135 = arith.cmpi sgt, %scan3A_133, %sign3A : i32
      %sign3A_136 = arith.extui %sign3A_135 : i1 to i32
      %sign3A_137 = arith.constant 0 : i32
      %sign3A_138 = arith.cmpi slt, %scan3A_133, %sign3A_137 : i32
      %sign3A_139 = arith.extui %sign3A_138 : i1 to i32
      %sign3A_140 = arith.subi %sign3A_136, %sign3A_139 : i32
      %sign3A_141 = arith.constant 0 : i32
      %sign3A_142 = arith.cmpi sgt, %jit3A, %sign3A_141 : i32
      %sign3A_143 = arith.extui %sign3A_142 : i1 to i32
      %sign3A_144 = arith.constant 0 : i32
      %sign3A_145 = arith.cmpi slt, %jit3A, %sign3A_144 : i32
      %sign3A_146 = arith.extui %sign3A_145 : i1 to i32
      %sign3A_147 = arith.subi %sign3A_143, %sign3A_146 : i32
      %ne3A = arith.cmpi ne, %sign3A_140, %sign3A_147 : i32
      %rem3A = arith.remsi %scan3A_133, %jit3A : i32
      %ne3A_148 = arith.constant 0 : i32
      %ne3A_149 = arith.cmpi ne, %rem3A, %ne3A_148 : i32
      %and3A = arith.andi %ne3A, %ne3A_149 : i1
      %sub3A = arith.constant 1 : i32
      %sub3A_150 = arith.subi %div3A, %sub3A : i32
      %select_n3A = arith.select %and3A, %sub3A_150, %div3A : i32
      %jit3A_151 = arith.constant 8 : i32
      %eq3A = arith.constant 0 : i32
      %eq3A_152 = arith.cmpi eq, %jit3A_151, %eq3A : i32
      %jit3A_153 = arith.constant 1 : i32
      %select_n3A_154 = arith.select %eq3A_152, %jit3A_153, %jit3A_151 : i32
      %rem3A_155 = arith.remsi %scan3A_133, %select_n3A_154 : i32
      %ne3A_156 = arith.constant 0 : i32
      %ne3A_157 = arith.cmpi ne, %rem3A_155, %ne3A_156 : i32
      %lt3A = arith.constant 0 : i32
      %lt3A_158 = arith.cmpi slt, %rem3A_155, %lt3A : i32
      %lt3A_159 = arith.constant 0 : i32
      %lt3A_160 = arith.cmpi slt, %select_n3A_154, %lt3A_159 : i32
      %ne3A_161 = arith.xori %lt3A_158, %lt3A_160 : i1
      %and3A_162 = arith.andi %ne3A_161, %ne3A_157 : i1
      %add3A_163 = arith.addi %rem3A_155, %select_n3A_154 : i32
      %select_n3A_164 = arith.select %and3A_162, %add3A_163, %rem3A_155 : i32
      %mul3A_165 = arith.constant 16 : i32
      %mul3A_166 = arith.muli %select_n3A_164, %mul3A_165 : i32
      %swap3A = arith.index_cast %select_n3A : i32 to index
      %swap3A_167 = arith.index_cast %mul3A_166 : i32 to index
      %swap3A_168 = tpu.vector_load %arg8[%swap3A, %swap3A_167] {strides = array<i32>} : memref<8x128xf32, #tpu.memory_space<vmem>>, vector<1x16xf32>,
      %swap3A_169 = vector.shape_cast %swap3A_168 : vector<1x16xf32> to vector<16xf32>
      %swap3A_170 = vector.shape_cast %broadcast_in_dim3A_134 : vector<16xf32> to vector<1x16xf32>
      tpu.vector_store %arg8[%swap3A, %swap3A_167], %swap3A_170 {strides = array<i32>} : memref<8x128xf32, #tpu.memory_space<vmem>>, vector<1x16xf32>,
    }
    %scan3A_67 = arith.constant 64 : i32
    %mul3A_68 = arith.constant 632 : i32
    %mul3A_69 = arith.muli %arg1, %mul3A_68 : i32
    %scan3A_70 = arith.constant 0 : i32
    %scan3A_71 = arith.constant 0 : i32
    %scan3A_72 = arith.constant 79 : i32
    %scan3A_73 = arith.addi %scan3A_71, %scan3A_72 : i32
    %scan3A_74 = arith.constant 1 : i32
    scf.for %scan3A_133 = %scan3A_71 to %scan3A_73 step %scan3A_74  : i32 {
      %mul3A_134 = arith.constant 8 : i32
      %mul3A_135 = arith.muli %scan3A_133, %mul3A_134 : i32
      %add3A_136 = arith.addi %mul3A_69, %mul3A_135 : i32
      %dma_start3A_137 = arith.constant 0 : i32
      %dma_start3A_138 = tpu.memref_slice %arg9[%add3A_136, %dma_start3A_137] : memref<10112x128xf32, #tpu.memory_space<vmem_shared>> -> memref<8x128xf32, #tpu.memory_space<vmem_shared>>
      %dma_start3A_139 = arith.constant 0 : i32
      %dma_start3A_140 = tpu.memref_slice %arg9[%add3A_136, %dma_start3A_139] : memref<10112x128xf32, #tpu.memory_space<vmem_shared>> -> memref<8x128xf32, #tpu.memory_space<vmem_shared>>
      tpu.enqueue_dma source(%arg8 : memref<8x128xf32, #tpu.memory_space<vmem>>) target(%dma_start3A_140 : memref<8x128xf32, #tpu.memory_space<vmem_shared>>) target_semaphore(%arg13 : memref<!tpu.dma_semaphore, #tpu.memory_space<semaphore_mem>>)
    }
    %scan3A_75 = arith.constant 79 : i32
    %scan3A_76 = arith.constant 0 : i32
    %scan3A_77 = arith.constant 0 : i32
    %scan3A_78 = arith.constant 79 : i32
    %scan3A_79 = arith.addi %scan3A_77, %scan3A_78 : i32
    %scan3A_80 = arith.constant 1 : i32
    scf.for %scan3A_133 = %scan3A_77 to %scan3A_79 step %scan3A_80  : i32 {
      %dma_wait3A_134 = arith.constant 0 : i32
      %dma_wait3A_135 = tpu.memref_slice %arg9[%mul3A_69, %dma_wait3A_134] : memref<10112x128xf32, #tpu.memory_space<vmem_shared>> -> memref<8x128xf32, #tpu.memory_space<vmem_shared>>
      %dma_wait3A_136 = arith.constant 0 : i32
      %dma_wait3A_137 = tpu.memref_slice %arg9[%mul3A_69, %dma_wait3A_136] : memref<10112x128xf32, #tpu.memory_space<vmem_shared>> -> memref<8x128xf32, #tpu.memory_space<vmem_shared>>
      tpu.wait_dma2 semaphore(%arg13 : memref<!tpu.dma_semaphore, #tpu.memory_space<semaphore_mem>>) src(%arg8 : memref<8x128xf32, #tpu.memory_space<vmem>>) dst(%dma_wait3A_137 : memref<8x128xf32, #tpu.memory_space<vmem_shared>>)
    }
    %scan3A_81 = arith.constant 79 : i32
    %barrier3A = arith.constant 0 : index
    tpu.barrier barrier_id(%barrier3A)
    %scan3A_82 = arith.constant 0 : i32
    %scan3A_83 = arith.constant 0 : i32
    %scan3A_84 = arith.constant 125 : i32
    %scan3A_85 = arith.addi %scan3A_83, %scan3A_84 : i32
    %scan3A_86 = arith.constant 1 : i32
    scf.for %scan3A_133 = %scan3A_83 to %scan3A_85 step %scan3A_86  : i32 {
      %jit3A = arith.constant 3 : i32
      %eq3A = arith.constant 0 : i32
      %eq3A_134 = arith.cmpi eq, %jit3A, %eq3A : i32
      %jit3A_135 = arith.constant 1 : i32
      %select_n3A = arith.select %eq3A_134, %jit3A_135, %jit3A : i32
      %rem3A = arith.remsi %scan3A_133, %select_n3A : i32
      %ne3A = arith.constant 0 : i32
      %ne3A_136 = arith.cmpi ne, %rem3A, %ne3A : i32
      %lt3A = arith.constant 0 : i32
      %lt3A_137 = arith.cmpi slt, %rem3A, %lt3A : i32
      %lt3A_138 = arith.constant 0 : i32
      %lt3A_139 = arith.cmpi slt, %select_n3A, %lt3A_138 : i32
      %ne3A_140 = arith.xori %lt3A_137, %lt3A_139 : i1
      %and3A = arith.andi %ne3A_140, %ne3A_136 : i1
      %add3A_141 = arith.addi %rem3A, %select_n3A : i32
      %select_n3A_142 = arith.select %and3A, %add3A_141, %rem3A : i32
      %add3A_143 = arith.constant 2 : i32
      %add3A_144 = arith.addi %scan3A_133, %add3A_143 : i32
      %jit3A_145 = arith.constant 3 : i32
      %eq3A_146 = arith.constant 0 : i32
      %eq3A_147 = arith.cmpi eq, %jit3A_145, %eq3A_146 : i32
      %jit3A_148 = arith.constant 1 : i32
      %select_n3A_149 = arith.select %eq3A_147, %jit3A_148, %jit3A_145 : i32
      %rem3A_150 = arith.remsi %add3A_144, %select_n3A_149 : i32
      %ne3A_151 = arith.constant 0 : i32
      %ne3A_152 = arith.cmpi ne, %rem3A_150, %ne3A_151 : i32
      %lt3A_153 = arith.constant 0 : i32
      %lt3A_154 = arith.cmpi slt, %rem3A_150, %lt3A_153 : i32
      %lt3A_155 = arith.constant 0 : i32
      %lt3A_156 = arith.cmpi slt, %select_n3A_149, %lt3A_155 : i32
      %ne3A_157 = arith.xori %lt3A_154, %lt3A_156 : i1
      %and3A_158 = arith.andi %ne3A_157, %ne3A_152 : i1
      %add3A_159 = arith.addi %rem3A_150, %select_n3A_149 : i32
      %select_n3A_160 = arith.select %and3A_158, %add3A_159, %rem3A_150 : i32
      %dma_wait3A_161 = arith.constant 0 : i32
      %dma_wait3A_162 = arith.constant 0 : i32
      %dma_wait3A_163 = arith.constant 0 : i32
      %dma_wait3A_164 = tpu.memref_slice %arg7[%select_n3A_142, %dma_wait3A_162, %dma_wait3A_163] : memref<3x80x128xf32, #tpu.memory_space<vmem>> -> memref<1x80x128xf32, #tpu.memory_space<vmem>>
      %dma_wait3A_165 = tpu.memref_squeeze %dma_wait3A_164 : memref<1x80x128xf32, #tpu.memory_space<vmem>> -> memref<80x128xf32, #tpu.memory_space<vmem>>
      %dma_wait3A_166 = arith.constant 0 : i32
      %dma_wait3A_167 = tpu.memref_slice %arg5[%dma_wait3A_161, %dma_wait3A_166] : memref<3x80xi32, #tpu.memory_space<vmem>> -> memref<1x80xi32, #tpu.memory_space<vmem>>
      %dma_wait3A_168 = tpu.memref_squeeze %dma_wait3A_167 : memref<1x80xi32, #tpu.memory_space<vmem>> -> memref<80xi32, #tpu.memory_space<vmem>>
      %dma_wait3A_169 = arith.constant 0 : i32
      %dma_wait3A_170 = arith.constant 0 : i32
      %dma_wait3A_171 = tpu.memref_slice %arg2[%dma_wait3A_169, %dma_wait3A_170] : memref<10000x128xf32, #tpu.memory_space<hbm>> -> memref<10000x128xf32, #tpu.memory_space<hbm>>
      %dma_wait3A_172 = tpu.memref_slice %arg10[%select_n3A_142] : memref<3x!tpu.dma_semaphore, #tpu.memory_space<semaphore_mem>> -> memref<1x!tpu.dma_semaphore, #tpu.memory_space<semaphore_mem>>
      %dma_wait3A_173 = tpu.memref_squeeze %dma_wait3A_172 : memref<1x!tpu.dma_semaphore, #tpu.memory_space<semaphore_mem>> -> memref<!tpu.dma_semaphore, #tpu.memory_space<semaphore_mem>>
      tpu.wait_indirect_dma semaphore(%dma_wait3A_173 : memref<!tpu.dma_semaphore, #tpu.memory_space<semaphore_mem>>) src(%dma_wait3A_171 : memref<10000x128xf32, #tpu.memory_space<hbm>>) dst(%dma_wait3A_165 : memref<80x128xf32, #tpu.memory_space<vmem>>)
      %dma_start3A_174 = arith.constant 0 : i32
      %dma_start3A_175 = arith.constant 0 : i32
      %dma_start3A_176 = tpu.memref_slice %arg7[%select_n3A_142, %dma_start3A_174, %dma_start3A_175] : memref<3x80x128xf32, #tpu.memory_space<vmem>> -> memref<1x80x128xf32, #tpu.memory_space<vmem>>
      %dma_start3A_177 = tpu.memref_squeeze %dma_start3A_176 : memref<1x80x128xf32, #tpu.memory_space<vmem>> -> memref<80x128xf32, #tpu.memory_space<vmem>>
      %dma_start3A_178 = arith.constant 0 : i32
      %dma_start3A_179 = tpu.memref_slice %arg6[%scan3A_133, %dma_start3A_178] : memref<125x80xi32, #tpu.memory_space<vmem>> -> memref<1x80xi32, #tpu.memory_space<vmem>>
      %dma_start3A_180 = tpu.memref_squeeze %dma_start3A_179 : memref<1x80xi32, #tpu.memory_space<vmem>> -> memref<80xi32, #tpu.memory_space<vmem>>
      %dma_start3A_181 = arith.constant 0 : i32
      %dma_start3A_182 = arith.constant 0 : i32
      %dma_start3A_183 = tpu.memref_slice %arg9[%dma_start3A_181, %dma_start3A_182] : memref<10112x128xf32, #tpu.memory_space<vmem_shared>> -> memref<10112x128xf32, #tpu.memory_space<vmem_shared>>
      %dma_start3A_184 = tpu.memref_slice %arg11[%select_n3A_142] : memref<3x!tpu.dma_semaphore, #tpu.memory_space<semaphore_mem>> -> memref<1x!tpu.dma_semaphore, #tpu.memory_space<semaphore_mem>>
      %dma_start3A_185 = tpu.memref_squeeze %dma_start3A_184 : memref<1x!tpu.dma_semaphore, #tpu.memory_space<semaphore_mem>> -> memref<!tpu.dma_semaphore, #tpu.memory_space<semaphore_mem>>
      tpu.enqueue_indirect_dma source(%dma_start3A_177 : memref<80x128xf32, #tpu.memory_space<vmem>>) target(%dma_start3A_183 : memref<10112x128xf32, #tpu.memory_space<vmem_shared>>) offsets(%dma_start3A_180 : memref<80xi32, #tpu.memory_space<vmem>>) semaphore(%dma_start3A_185 : memref<!tpu.dma_semaphore, #tpu.memory_space<semaphore_mem>>) {add = true}
      %add3A_186 = arith.constant 2 : i32
      %add3A_187 = arith.addi %scan3A_133, %add3A_186 : i32
      %lt3A_188 = arith.constant 125 : i32
      %lt3A_189 = arith.cmpi slt, %add3A_187, %lt3A_188 : i32
      %convert_element_type3A = arith.extui %lt3A_189 : i1 to i32
      %cond3A = arith.constant 0 : i32
      %cond3A_190 = arith.cmpi ne, %convert_element_type3A, %cond3A : i32
      scf.if %cond3A_190 {
        %add3A_198 = arith.constant 0 : i32
        %add3A_199 = arith.addi %mul3A_2, %add3A_198 : i32
        %dma_wait3A_200 = arith.constant 0 : i32
        %dma_wait3A_201 = tpu.memref_slice %arg5[%select_n3A_160, %dma_wait3A_200] : memref<3x80xi32, #tpu.memory_space<vmem>> -> memref<1x80xi32, #tpu.memory_space<vmem>>
        %dma_wait3A_202 = tpu.memref_squeeze %dma_wait3A_201 : memref<1x80xi32, #tpu.memory_space<vmem>> -> memref<80xi32, #tpu.memory_space<vmem>>
        %dma_wait3A_203 = tpu.memref_slice %arg3[%add3A_199] : memref<640000xi32, #tpu.memory_space<hbm>> -> memref<80xi32, #tpu.memory_space<hbm>>
        %dma_wait3A_204 = tpu.memref_slice %arg12[%select_n3A_160] : memref<3x!tpu.dma_semaphore, #tpu.memory_space<semaphore_mem>> -> memref<1x!tpu.dma_semaphore, #tpu.memory_space<semaphore_mem>>
        %dma_wait3A_205 = tpu.memref_squeeze %dma_wait3A_204 : memref<1x!tpu.dma_semaphore, #tpu.memory_space<semaphore_mem>> -> memref<!tpu.dma_semaphore, #tpu.memory_space<semaphore_mem>>
        %dma_wait3A_206 = arith.constant 0 : i32
        %dma_wait3A_207 = tpu.memref_slice %arg5[%select_n3A_160, %dma_wait3A_206] : memref<3x80xi32, #tpu.memory_space<vmem>> -> memref<1x80xi32, #tpu.memory_space<vmem>>
        %dma_wait3A_208 = tpu.memref_squeeze %dma_wait3A_207 : memref<1x80xi32, #tpu.memory_space<vmem>> -> memref<80xi32, #tpu.memory_space<vmem>>
        %dma_wait3A_209 = tpu.memref_slice %arg3[%add3A_199] : memref<640000xi32, #tpu.memory_space<hbm>> -> memref<80xi32, #tpu.memory_space<hbm>>
        tpu.wait_dma2 semaphore(%dma_wait3A_205 : memref<!tpu.dma_semaphore, #tpu.memory_space<semaphore_mem>>) src(%dma_wait3A_209 : memref<80xi32, #tpu.memory_space<hbm>>) dst(%dma_wait3A_208 : memref<80xi32, #tpu.memory_space<vmem>>)
        %ge3A = arith.constant 1 : i32
        %ge3A_210 = arith.cmpi sge, %scan3A_133, %ge3A : i32
        %convert_element_type3A_211 = arith.extui %ge3A_210 : i1 to i32
        %cond3A_212 = arith.constant 0 : i32
        %cond3A_213 = arith.cmpi ne, %convert_element_type3A_211, %cond3A_212 : i32
        scf.if %cond3A_213 {
          %dma_wait3A_226 = arith.constant 0 : i32
          %dma_wait3A_227 = arith.constant 0 : i32
          %dma_wait3A_228 = arith.constant 0 : i32
          %dma_wait3A_229 = tpu.memref_slice %arg7[%select_n3A_160, %dma_wait3A_227, %dma_wait3A_228] : memref<3x80x128xf32, #tpu.memory_space<vmem>> -> memref<1x80x128xf32, #tpu.memory_space<vmem>>
          %dma_wait3A_230 = tpu.memref_squeeze %dma_wait3A_229 : memref<1x80x128xf32, #tpu.memory_space<vmem>> -> memref<80x128xf32, #tpu.memory_space<vmem>>
          %dma_wait3A_231 = arith.constant 0 : i32
          %dma_wait3A_232 = tpu.memref_slice %arg6[%dma_wait3A_226, %dma_wait3A_231] : memref<125x80xi32, #tpu.memory_space<vmem>> -> memref<1x80xi32, #tpu.memory_space<vmem>>
          %dma_wait3A_233 = tpu.memref_squeeze %dma_wait3A_232 : memref<1x80xi32, #tpu.memory_space<vmem>> -> memref<80xi32, #tpu.memory_space<vmem>>
          %dma_wait3A_234 = arith.constant 0 : i32
          %dma_wait3A_235 = arith.constant 0 : i32
          %dma_wait3A_236 = tpu.memref_slice %arg9[%dma_wait3A_234, %dma_wait3A_235] : memref<10112x128xf32, #tpu.memory_space<vmem_shared>> -> memref<10112x128xf32, #tpu.memory_space<vmem_shared>>
          %dma_wait3A_237 = tpu.memref_slice %arg11[%select_n3A_160] : memref<3x!tpu.dma_semaphore, #tpu.memory_space<semaphore_mem>> -> memref<1x!tpu.dma_semaphore, #tpu.memory_space<semaphore_mem>>
          %dma_wait3A_238 = tpu.memref_squeeze %dma_wait3A_237 : memref<1x!tpu.dma_semaphore, #tpu.memory_space<semaphore_mem>> -> memref<!tpu.dma_semaphore, #tpu.memory_space<semaphore_mem>>
          tpu.wait_indirect_dma semaphore(%dma_wait3A_238 : memref<!tpu.dma_semaphore, #tpu.memory_space<semaphore_mem>>) src(%dma_wait3A_230 : memref<80x128xf32, #tpu.memory_space<vmem>>) dst(%dma_wait3A_236 : memref<10112x128xf32, #tpu.memory_space<vmem_shared>>)
        } else {
        }
        %dma_start3A_214 = arith.constant 0 : i32
        %dma_start3A_215 = arith.constant 0 : i32
        %dma_start3A_216 = tpu.memref_slice %arg7[%select_n3A_160, %dma_start3A_214, %dma_start3A_215] : memref<3x80x128xf32, #tpu.memory_space<vmem>> -> memref<1x80x128xf32, #tpu.memory_space<vmem>>
        %dma_start3A_217 = tpu.memref_squeeze %dma_start3A_216 : memref<1x80x128xf32, #tpu.memory_space<vmem>> -> memref<80x128xf32, #tpu.memory_space<vmem>>
        %dma_start3A_218 = arith.constant 0 : i32
        %dma_start3A_219 = tpu.memref_slice %arg5[%select_n3A_160, %dma_start3A_218] : memref<3x80xi32, #tpu.memory_space<vmem>> -> memref<1x80xi32, #tpu.memory_space<vmem>>
        %dma_start3A_220 = tpu.memref_squeeze %dma_start3A_219 : memref<1x80xi32, #tpu.memory_space<vmem>> -> memref<80xi32, #tpu.memory_space<vmem>>
        %dma_start3A_221 = arith.constant 0 : i32
        %dma_start3A_222 = arith.constant 0 : i32
        %dma_start3A_223 = tpu.memref_slice %arg2[%dma_start3A_221, %dma_start3A_222] : memref<10000x128xf32, #tpu.memory_space<hbm>> -> memref<10000x128xf32, #tpu.memory_space<hbm>>
        %dma_start3A_224 = tpu.memref_slice %arg10[%select_n3A_160] : memref<3x!tpu.dma_semaphore, #tpu.memory_space<semaphore_mem>> -> memref<1x!tpu.dma_semaphore, #tpu.memory_space<semaphore_mem>>
        %dma_start3A_225 = tpu.memref_squeeze %dma_start3A_224 : memref<1x!tpu.dma_semaphore, #tpu.memory_space<semaphore_mem>> -> memref<!tpu.dma_semaphore, #tpu.memory_space<semaphore_mem>>
        tpu.enqueue_indirect_dma source(%dma_start3A_223 : memref<10000x128xf32, #tpu.memory_space<hbm>>) target(%dma_start3A_217 : memref<80x128xf32, #tpu.memory_space<vmem>>) offsets(%dma_start3A_220 : memref<80xi32, #tpu.memory_space<vmem>>) semaphore(%dma_start3A_225 : memref<!tpu.dma_semaphore, #tpu.memory_space<semaphore_mem>>)
      } else {
      }
      %add3A_191 = arith.constant 3 : i32
      %add3A_192 = arith.addi %scan3A_133, %add3A_191 : i32
      %lt3A_193 = arith.constant 125 : i32
      %lt3A_194 = arith.cmpi slt, %add3A_192, %lt3A_193 : i32
      %convert_element_type3A_195 = arith.extui %lt3A_194 : i1 to i32
      %cond3A_196 = arith.constant 0 : i32
      %cond3A_197 = arith.cmpi ne, %convert_element_type3A_195, %cond3A_196 : i32
      scf.if %cond3A_197 {
        %add3A_198 = arith.constant 3 : i32
        %add3A_199 = arith.addi %scan3A_133, %add3A_198 : i32
        %mul3A_200 = arith.constant 80 : i32
        %mul3A_201 = arith.muli %add3A_199, %mul3A_200 : i32
        %add3A_202 = arith.addi %mul3A_2, %mul3A_201 : i32
        %dma_start3A_203 = arith.constant 0 : i32
        %dma_start3A_204 = tpu.memref_slice %arg5[%select_n3A_142, %dma_start3A_203] : memref<3x80xi32, #tpu.memory_space<vmem>> -> memref<1x80xi32, #tpu.memory_space<vmem>>
        %dma_start3A_205 = tpu.memref_squeeze %dma_start3A_204 : memref<1x80xi32, #tpu.memory_space<vmem>> -> memref<80xi32, #tpu.memory_space<vmem>>
        %dma_start3A_206 = tpu.memref_slice %arg3[%add3A_202] : memref<640000xi32, #tpu.memory_space<hbm>> -> memref<80xi32, #tpu.memory_space<hbm>>
        %dma_start3A_207 = tpu.memref_slice %arg12[%select_n3A_142] : memref<3x!tpu.dma_semaphore, #tpu.memory_space<semaphore_mem>> -> memref<1x!tpu.dma_semaphore, #tpu.memory_space<semaphore_mem>>
        %dma_start3A_208 = tpu.memref_squeeze %dma_start3A_207 : memref<1x!tpu.dma_semaphore, #tpu.memory_space<semaphore_mem>> -> memref<!tpu.dma_semaphore, #tpu.memory_space<semaphore_mem>>
        %dma_start3A_209 = arith.constant 0 : i32
        %dma_start3A_210 = tpu.memref_slice %arg5[%select_n3A_142, %dma_start3A_209] : memref<3x80xi32, #tpu.memory_space<vmem>> -> memref<1x80xi32, #tpu.memory_space<vmem>>
        %dma_start3A_211 = tpu.memref_squeeze %dma_start3A_210 : memref<1x80xi32, #tpu.memory_space<vmem>> -> memref<80xi32, #tpu.memory_space<vmem>>
        %dma_start3A_212 = tpu.memref_slice %arg3[%add3A_202] : memref<640000xi32, #tpu.memory_space<hbm>> -> memref<80xi32, #tpu.memory_space<hbm>>
        tpu.enqueue_dma source(%dma_start3A_212 : memref<80xi32, #tpu.memory_space<hbm>>) target(%dma_start3A_211 : memref<80xi32, #tpu.memory_space<vmem>>) target_semaphore(%dma_start3A_208 : memref<!tpu.dma_semaphore, #tpu.memory_space<semaphore_mem>>)
      } else {
      }
    }
    %scan3A_87 = arith.constant 125 : i32
    %dma_wait3A = arith.constant 1 : i32
    %dma_wait3A_88 = arith.constant 0 : i32
    %dma_wait3A_89 = arith.constant 1 : i32
    %dma_wait3A_90 = arith.constant 0 : i32
    %dma_wait3A_91 = arith.constant 0 : i32
    %dma_wait3A_92 = tpu.memref_slice %arg7[%dma_wait3A, %dma_wait3A_90, %dma_wait3A_91] : memref<3x80x128xf32, #tpu.memory_space<vmem>> -> memref<1x80x128xf32, #tpu.memory_space<vmem>>
    %dma_wait3A_93 = tpu.memref_squeeze %dma_wait3A_92 : memref<1x80x128xf32, #tpu.memory_space<vmem>> -> memref<80x128xf32, #tpu.memory_space<vmem>>
    %dma_wait3A_94 = arith.constant 0 : i32
    %dma_wait3A_95 = tpu.memref_slice %arg6[%dma_wait3A_88, %dma_wait3A_94] : memref<125x80xi32, #tpu.memory_space<vmem>> -> memref<1x80xi32, #tpu.memory_space<vmem>>
    %dma_wait3A_96 = tpu.memref_squeeze %dma_wait3A_95 : memref<1x80xi32, #tpu.memory_space<vmem>> -> memref<80xi32, #tpu.memory_space<vmem>>
    %dma_wait3A_97 = arith.constant 0 : i32
    %dma_wait3A_98 = arith.constant 0 : i32
    %dma_wait3A_99 = tpu.memref_slice %arg9[%dma_wait3A_97, %dma_wait3A_98] : memref<10112x128xf32, #tpu.memory_space<vmem_shared>> -> memref<10112x128xf32, #tpu.memory_space<vmem_shared>>
    %dma_wait3A_100 = tpu.memref_slice %arg11[%dma_wait3A_89] : memref<3x!tpu.dma_semaphore, #tpu.memory_space<semaphore_mem>> -> memref<1x!tpu.dma_semaphore, #tpu.memory_space<semaphore_mem>>
    %dma_wait3A_101 = tpu.memref_squeeze %dma_wait3A_100 : memref<1x!tpu.dma_semaphore, #tpu.memory_space<semaphore_mem>> -> memref<!tpu.dma_semaphore, #tpu.memory_space<semaphore_mem>>
    tpu.wait_indirect_dma semaphore(%dma_wait3A_101 : memref<!tpu.dma_semaphore, #tpu.memory_space<semaphore_mem>>) src(%dma_wait3A_93 : memref<80x128xf32, #tpu.memory_space<vmem>>) dst(%dma_wait3A_99 : memref<10112x128xf32, #tpu.memory_space<vmem_shared>>)
    %dma_wait3A_102 = arith.constant 0 : i32
    %dma_wait3A_103 = arith.constant 0 : i32
    %dma_wait3A_104 = arith.constant 0 : i32
    %dma_wait3A_105 = arith.constant 0 : i32
    %dma_wait3A_106 = arith.constant 0 : i32
    %dma_wait3A_107 = tpu.memref_slice %arg7[%dma_wait3A_102, %dma_wait3A_105, %dma_wait3A_106] : memref<3x80x128xf32, #tpu.memory_space<vmem>> -> memref<1x80x128xf32, #tpu.memory_space<vmem>>
    %dma_wait3A_108 = tpu.memref_squeeze %dma_wait3A_107 : memref<1x80x128xf32, #tpu.memory_space<vmem>> -> memref<80x128xf32, #tpu.memory_space<vmem>>
    %dma_wait3A_109 = arith.constant 0 : i32
    %dma_wait3A_110 = tpu.memref_slice %arg6[%dma_wait3A_103, %dma_wait3A_109] : memref<125x80xi32, #tpu.memory_space<vmem>> -> memref<1x80xi32, #tpu.memory_space<vmem>>
    %dma_wait3A_111 = tpu.memref_squeeze %dma_wait3A_110 : memref<1x80xi32, #tpu.memory_space<vmem>> -> memref<80xi32, #tpu.memory_space<vmem>>
    %dma_wait3A_112 = arith.constant 0 : i32
    %dma_wait3A_113 = arith.constant 0 : i32
    %dma_wait3A_114 = tpu.memref_slice %arg9[%dma_wait3A_112, %dma_wait3A_113] : memref<10112x128xf32, #tpu.memory_space<vmem_shared>> -> memref<10112x128xf32, #tpu.memory_space<vmem_shared>>
    %dma_wait3A_115 = tpu.memref_slice %arg11[%dma_wait3A_104] : memref<3x!tpu.dma_semaphore, #tpu.memory_space<semaphore_mem>> -> memref<1x!tpu.dma_semaphore, #tpu.memory_space<semaphore_mem>>
    %dma_wait3A_116 = tpu.memref_squeeze %dma_wait3A_115 : memref<1x!tpu.dma_semaphore, #tpu.memory_space<semaphore_mem>> -> memref<!tpu.dma_semaphore, #tpu.memory_space<semaphore_mem>>
    tpu.wait_indirect_dma semaphore(%dma_wait3A_116 : memref<!tpu.dma_semaphore, #tpu.memory_space<semaphore_mem>>) src(%dma_wait3A_108 : memref<80x128xf32, #tpu.memory_space<vmem>>) dst(%dma_wait3A_114 : memref<10112x128xf32, #tpu.memory_space<vmem_shared>>)
    %dma_wait3A_117 = arith.constant 2 : i32
    %dma_wait3A_118 = arith.constant 0 : i32
    %dma_wait3A_119 = arith.constant 2 : i32
    %dma_wait3A_120 = arith.constant 0 : i32
    %dma_wait3A_121 = arith.constant 0 : i32
    %dma_wait3A_122 = tpu.memref_slice %arg7[%dma_wait3A_117, %dma_wait3A_120, %dma_wait3A_121] : memref<3x80x128xf32, #tpu.memory_space<vmem>> -> memref<1x80x128xf32, #tpu.memory_space<vmem>>
    %dma_wait3A_123 = tpu.memref_squeeze %dma_wait3A_122 : memref<1x80x128xf32, #tpu.memory_space<vmem>> -> memref<80x128xf32, #tpu.memory_space<vmem>>
    %dma_wait3A_124 = arith.constant 0 : i32
    %dma_wait3A_125 = tpu.memref_slice %arg6[%dma_wait3A_118, %dma_wait3A_124] : memref<125x80xi32, #tpu.memory_space<vmem>> -> memref<1x80xi32, #tpu.memory_space<vmem>>
    %dma_wait3A_126 = tpu.memref_squeeze %dma_wait3A_125 : memref<1x80xi32, #tpu.memory_space<vmem>> -> memref<80xi32, #tpu.memory_space<vmem>>
    %dma_wait3A_127 = arith.constant 0 : i32
    %dma_wait3A_128 = arith.constant 0 : i32
    %dma_wait3A_129 = tpu.memref_slice %arg9[%dma_wait3A_127, %dma_wait3A_128] : memref<10112x128xf32, #tpu.memory_space<vmem_shared>> -> memref<10112x128xf32, #tpu.memory_space<vmem_shared>>
    %dma_wait3A_130 = tpu.memref_slice %arg11[%dma_wait3A_119] : memref<3x!tpu.dma_semaphore, #tpu.memory_space<semaphore_mem>> -> memref<1x!tpu.dma_semaphore, #tpu.memory_space<semaphore_mem>>
    %dma_wait3A_131 = tpu.memref_squeeze %dma_wait3A_130 : memref<1x!tpu.dma_semaphore, #tpu.memory_space<semaphore_mem>> -> memref<!tpu.dma_semaphore, #tpu.memory_space<semaphore_mem>>
    tpu.wait_indirect_dma semaphore(%dma_wait3A_131 : memref<!tpu.dma_semaphore, #tpu.memory_space<semaphore_mem>>) src(%dma_wait3A_123 : memref<80x128xf32, #tpu.memory_space<vmem>>) dst(%dma_wait3A_129 : memref<10112x128xf32, #tpu.memory_space<vmem_shared>>)
    %barrier3A_132 = arith.constant 0 : index
    tpu.barrier barrier_id(%barrier3A_132)
    "tpu.region"() ({
      %run_scoped3A_133 = tpu.sem_alloc : memref<!tpu.dma_semaphore, #tpu.memory_space<semaphore_mem>>
      %dma_start3A_134 = arith.constant 0 : i32
      %dma_start3A_135 = tpu.memref_slice %arg4[%arg0, %mul3A_69, %dma_start3A_134] : memref<2x10112x128xf32, #tpu.memory_space<hbm>> -> memref<1x632x128xf32, #tpu.memory_space<hbm>>
      %dma_start3A_136 = tpu.memref_squeeze %dma_start3A_135 : memref<1x632x128xf32, #tpu.memory_space<hbm>> -> memref<632x128xf32, #tpu.memory_space<hbm>>
      %dma_start3A_137 = arith.constant 0 : i32
      %dma_start3A_138 = tpu.memref_slice %arg9[%mul3A_69, %dma_start3A_137] : memref<10112x128xf32, #tpu.memory_space<vmem_shared>> -> memref<632x128xf32, #tpu.memory_space<vmem_shared>>
      tpu.enqueue_dma source(%dma_start3A_138 : memref<632x128xf32, #tpu.memory_space<vmem_shared>>) target(%dma_start3A_136 : memref<632x128xf32, #tpu.memory_space<hbm>>) target_semaphore(%run_scoped3A_133 : memref<!tpu.dma_semaphore, #tpu.memory_space<semaphore_mem>>)
      %dma_wait3A_139 = arith.constant 0 : i32
      %dma_wait3A_140 = tpu.memref_slice %arg4[%arg0, %mul3A_69, %dma_wait3A_139] : memref<2x10112x128xf32, #tpu.memory_space<hbm>> -> memref<1x632x128xf32, #tpu.memory_space<hbm>>
      %dma_wait3A_141 = tpu.memref_squeeze %dma_wait3A_140 : memref<1x632x128xf32, #tpu.memory_space<hbm>> -> memref<632x128xf32, #tpu.memory_space<hbm>>
      %dma_wait3A_142 = arith.constant 0 : i32
      %dma_wait3A_143 = tpu.memref_slice %arg9[%mul3A_69, %dma_wait3A_142] : memref<10112x128xf32, #tpu.memory_space<vmem_shared>> -> memref<632x128xf32, #tpu.memory_space<vmem_shared>>
      tpu.wait_dma2 semaphore(%run_scoped3A_133 : memref<!tpu.dma_semaphore, #tpu.memory_space<semaphore_mem>>) src(%dma_wait3A_143 : memref<632x128xf32, #tpu.memory_space<vmem_shared>>) dst(%dma_wait3A_141 : memref<632x128xf32, #tpu.memory_space<hbm>>)
      tpu.yield
    }) : () -> ()
    return
  }
}

#map = affine_map<(d0, d1) -> (0, 0)>
#map1 = affine_map<(d0, d1) -> (0)>
#map2 = affine_map<(d0, d1) -> (0, 0, 0)>
module attributes {stable_mosaic.version = 14 : i64} {
  func.func @_sc_segsum_body(%arg0: i32, %arg1: i32, %arg2: memref<10000x128xf32, #tpu.memory_space<hbm>>, %arg3: memref<640000xi32, #tpu.memory_space<hbm>>, %arg4: memref<2x10112x128xf32, #tpu.memory_space<hbm>>, %arg5: memref<3x80xi32, #tpu.memory_space<vmem>>, %arg6: memref<125x80xi32, #tpu.memory_space<vmem>>, %arg7: memref<3x80x128xf32, #tpu.memory_space<vmem>>, %arg8: memref<8x128xf32, #tpu.memory_space<vmem>>, %arg9: memref<10112x128xf32, #tpu.memory_space<vmem_shared>>, %arg10: memref<3x!tpu.dma_semaphore, #tpu.memory_space<semaphore_mem>>, %arg11: memref<3x!tpu.dma_semaphore, #tpu.memory_space<semaphore_mem>>, %arg12: memref<3x!tpu.dma_semaphore, #tpu.memory_space<semaphore_mem>>, %arg13: memref<!tpu.dma_semaphore, #tpu.memory_space<semaphore_mem>>) attributes {dimension_semantics = [#tpu.dimension_semantics<core_parallel>, #tpu.dimension_semantics<subcore_parallel>], iteration_bounds = array<i64: 2, 16>, scalar_prefetch = 0 : i64, scratch_operands = 9 : i64, tpu.core_type = #tpu.core_type<sc_vector_subcore>, window_params = [{transform_indices = #map}, {transform_indices = #map1}, {transform_indices = #map2}]} {
    %mul3A = arith.constant 16 : i32
    %mul3A_0 = arith.muli %arg0, %mul3A : i32
    %add3A = arith.addi %mul3A_0, %arg1 : i32
    %mul3A_1 = arith.constant 10000 : i32
    %mul3A_2 = arith.muli %add3A, %mul3A_1 : i32
    %add3A_3 = arith.constant 0 : i32
    %add3A_4 = arith.addi %mul3A_2, %add3A_3 : i32
    %run_scoped3A = arith.constant 0 : i32
    "tpu.region"() ({
      %run_scoped3A_133 = tpu.sem_alloc : memref<!tpu.dma_semaphore, #tpu.memory_space<semaphore_mem>>
      %dma_start3A_134 = arith.constant 0 : i32
      %dma_start3A_135 = tpu.memref_slice %arg5[%run_scoped3A, %dma_start3A_134] : memref<3x80xi32, #tpu.memory_space<vmem>> -> memref<1x80xi32, #tpu.memory_space<vmem>>
      %dma_start3A_136 = tpu.memref_squeeze %dma_start3A_135 : memref<1x80xi32, #tpu.memory_space<vmem>> -> memref<80xi32, #tpu.memory_space<vmem>>
      %dma_start3A_137 = tpu.memref_slice %arg3[%add3A_4] : memref<640000xi32, #tpu.memory_space<hbm>> -> memref<80xi32, #tpu.memory_space<hbm>>
      %dma_start3A_138 = arith.constant 0 : i32
      %dma_start3A_139 = tpu.memref_slice %arg5[%run_scoped3A, %dma_start3A_138] : memref<3x80xi32, #tpu.memory_space<vmem>> -> memref<1x80xi32, #tpu.memory_space<vmem>>
      %dma_start3A_140 = tpu.memref_squeeze %dma_start3A_139 : memref<1x80xi32, #tpu.memory_space<vmem>> -> memref<80xi32, #tpu.memory_space<vmem>>
      %dma_start3A_141 = tpu.memref_slice %arg3[%add3A_4] : memref<640000xi32, #tpu.memory_space<hbm>> -> memref<80xi32, #tpu.memory_space<hbm>>
      tpu.enqueue_dma source(%dma_start3A_141 : memref<80xi32, #tpu.memory_space<hbm>>) target(%dma_start3A_140 : memref<80xi32, #tpu.memory_space<vmem>>) target_semaphore(%run_scoped3A_133 : memref<!tpu.dma_semaphore, #tpu.memory_space<semaphore_mem>>)
      %dma_wait3A_142 = arith.constant 0 : i32
      %dma_wait3A_143 = tpu.memref_slice %arg5[%run_scoped3A, %dma_wait3A_142] : memref<3x80xi32, #tpu.memory_space<vmem>> -> memref<1x80xi32, #tpu.memory_space<vmem>>
      %dma_wait3A_144 = tpu.memref_squeeze %dma_wait3A_143 : memref<1x80xi32, #tpu.memory_space<vmem>> -> memref<80xi32, #tpu.memory_space<vmem>>
      %dma_wait3A_145 = tpu.memref_slice %arg3[%add3A_4] : memref<640000xi32, #tpu.memory_space<hbm>> -> memref<80xi32, #tpu.memory_space<hbm>>
      %dma_wait3A_146 = arith.constant 0 : i32
      %dma_wait3A_147 = tpu.memref_slice %arg5[%run_scoped3A, %dma_wait3A_146] : memref<3x80xi32, #tpu.memory_space<vmem>> -> memref<1x80xi32, #tpu.memory_space<vmem>>
      %dma_wait3A_148 = tpu.memref_squeeze %dma_wait3A_147 : memref<1x80xi32, #tpu.memory_space<vmem>> -> memref<80xi32, #tpu.memory_space<vmem>>
      %dma_wait3A_149 = tpu.memref_slice %arg3[%add3A_4] : memref<640000xi32, #tpu.memory_space<hbm>> -> memref<80xi32, #tpu.memory_space<hbm>>
      tpu.wait_dma2 semaphore(%run_scoped3A_133 : memref<!tpu.dma_semaphore, #tpu.memory_space<semaphore_mem>>) src(%dma_wait3A_149 : memref<80xi32, #tpu.memory_space<hbm>>) dst(%dma_wait3A_148 : memref<80xi32, #tpu.memory_space<vmem>>)
      tpu.yield
    }) : () -> ()
    %add3A_5 = arith.constant 80 : i32
    %add3A_6 = arith.addi %mul3A_2, %add3A_5 : i32
    %run_scoped3A_7 = arith.constant 1 : i32
    "tpu.region"() ({
      %run_scoped3A_133 = tpu.sem_alloc : memref<!tpu.dma_semaphore, #tpu.memory_space<semaphore_mem>>
      %dma_start3A_134 = arith.constant 0 : i32
      %dma_start3A_135 = tpu.memref_slice %arg5[%run_scoped3A_7, %dma_start3A_134] : memref<3x80xi32, #tpu.memory_space<vmem>> -> memref<1x80xi32, #tpu.memory_space<vmem>>
      %dma_start3A_136 = tpu.memref_squeeze %dma_start3A_135 : memref<1x80xi32, #tpu.memory_space<vmem>> -> memref<80xi32, #tpu.memory_space<vmem>>
      %dma_start3A_137 = tpu.memref_slice %arg3[%add3A_6] : memref<640000xi32, #tpu.memory_space<hbm>> -> memref<80xi32, #tpu.memory_space<hbm>>
      %dma_start3A_138 = arith.constant 0 : i32
      %dma_start3A_139 = tpu.memref_slice %arg5[%run_scoped3A_7, %dma_start3A_138] : memref<3x80xi32, #tpu.memory_space<vmem>> -> memref<1x80xi32, #tpu.memory_space<vmem>>
      %dma_start3A_140 = tpu.memref_squeeze %dma_start3A_139 : memref<1x80xi32, #tpu.memory_space<vmem>> -> memref<80xi32, #tpu.memory_space<vmem>>
      %dma_start3A_141 = tpu.memref_slice %arg3[%add3A_6] : memref<640000xi32, #tpu.memory_space<hbm>> -> memref<80xi32, #tpu.memory_space<hbm>>
      tpu.enqueue_dma source(%dma_start3A_141 : memref<80xi32, #tpu.memory_space<hbm>>) target(%dma_start3A_140 : memref<80xi32, #tpu.memory_space<vmem>>) target_semaphore(%run_scoped3A_133 : memref<!tpu.dma_semaphore, #tpu.memory_space<semaphore_mem>>)
      %dma_wait3A_142 = arith.constant 0 : i32
      %dma_wait3A_143 = tpu.memref_slice %arg5[%run_scoped3A_7, %dma_wait3A_142] : memref<3x80xi32, #tpu.memory_space<vmem>> -> memref<1x80xi32, #tpu.memory_space<vmem>>
      %dma_wait3A_144 = tpu.memref_squeeze %dma_wait3A_143 : memref<1x80xi32, #tpu.memory_space<vmem>> -> memref<80xi32, #tpu.memory_space<vmem>>
      %dma_wait3A_145 = tpu.memref_slice %arg3[%add3A_6] : memref<640000xi32, #tpu.memory_space<hbm>> -> memref<80xi32, #tpu.memory_space<hbm>>
      %dma_wait3A_146 = arith.constant 0 : i32
      %dma_wait3A_147 = tpu.memref_slice %arg5[%run_scoped3A_7, %dma_wait3A_146] : memref<3x80xi32, #tpu.memory_space<vmem>> -> memref<1x80xi32, #tpu.memory_space<vmem>>
      %dma_wait3A_148 = tpu.memref_squeeze %dma_wait3A_147 : memref<1x80xi32, #tpu.memory_space<vmem>> -> memref<80xi32, #tpu.memory_space<vmem>>
      %dma_wait3A_149 = tpu.memref_slice %arg3[%add3A_6] : memref<640000xi32, #tpu.memory_space<hbm>> -> memref<80xi32, #tpu.memory_space<hbm>>
      tpu.wait_dma2 semaphore(%run_scoped3A_133 : memref<!tpu.dma_semaphore, #tpu.memory_space<semaphore_mem>>) src(%dma_wait3A_149 : memref<80xi32, #tpu.memory_space<hbm>>) dst(%dma_wait3A_148 : memref<80xi32, #tpu.memory_space<vmem>>)
      tpu.yield
    }) : () -> ()
    %dma_start3A = arith.constant 0 : i32
    %dma_start3A_8 = arith.constant 0 : i32
    %dma_start3A_9 = arith.constant 0 : i32
    %dma_start3A_10 = arith.constant 0 : i32
    %dma_start3A_11 = arith.constant 0 : i32
    %dma_start3A_12 = tpu.memref_slice %arg7[%dma_start3A_8, %dma_start3A_10, %dma_start3A_11] : memref<3x80x128xf32, #tpu.memory_space<vmem>> -> memref<1x80x128xf32, #tpu.memory_space<vmem>>
    %dma_start3A_13 = tpu.memref_squeeze %dma_start3A_12 : memref<1x80x128xf32, #tpu.memory_space<vmem>> -> memref<80x128xf32, #tpu.memory_space<vmem>>
    %dma_start3A_14 = arith.constant 0 : i32
    %dma_start3A_15 = tpu.memref_slice %arg5[%dma_start3A, %dma_start3A_14] : memref<3x80xi32, #tpu.memory_space<vmem>> -> memref<1x80xi32, #tpu.memory_space<vmem>>
    %dma_start3A_16 = tpu.memref_squeeze %dma_start3A_15 : memref<1x80xi32, #tpu.memory_space<vmem>> -> memref<80xi32, #tpu.memory_space<vmem>>
    %dma_start3A_17 = arith.constant 0 : i32
    %dma_start3A_18 = arith.constant 0 : i32
    %dma_start3A_19 = tpu.memref_slice %arg2[%dma_start3A_17, %dma_start3A_18] : memref<10000x128xf32, #tpu.memory_space<hbm>> -> memref<10000x128xf32, #tpu.memory_space<hbm>>
    %dma_start3A_20 = tpu.memref_slice %arg10[%dma_start3A_9] : memref<3x!tpu.dma_semaphore, #tpu.memory_space<semaphore_mem>> -> memref<1x!tpu.dma_semaphore, #tpu.memory_space<semaphore_mem>>
    %dma_start3A_21 = tpu.memref_squeeze %dma_start3A_20 : memref<1x!tpu.dma_semaphore, #tpu.memory_space<semaphore_mem>> -> memref<!tpu.dma_semaphore, #tpu.memory_space<semaphore_mem>>
    tpu.enqueue_indirect_dma source(%dma_start3A_19 : memref<10000x128xf32, #tpu.memory_space<hbm>>) target(%dma_start3A_13 : memref<80x128xf32, #tpu.memory_space<vmem>>) offsets(%dma_start3A_16 : memref<80xi32, #tpu.memory_space<vmem>>) semaphore(%dma_start3A_21 : memref<!tpu.dma_semaphore, #tpu.memory_space<semaphore_mem>>)
    %dma_start3A_22 = arith.constant 1 : i32
    %dma_start3A_23 = arith.constant 1 : i32
    %dma_start3A_24 = arith.constant 1 : i32
    %dma_start3A_25 = arith.constant 0 : i32
    %dma_start3A_26 = arith.constant 0 : i32
    %dma_start3A_27 = tpu.memref_slice %arg7[%dma_start3A_23, %dma_start3A_25, %dma_start3A_26] : memref<3x80x128xf32, #tpu.memory_space<vmem>> -> memref<1x80x128xf32, #tpu.memory_space<vmem>>
    %dma_start3A_28 = tpu.memref_squeeze %dma_start3A_27 : memref<1x80x128xf32, #tpu.memory_space<vmem>> -> memref<80x128xf32, #tpu.memory_space<vmem>>
    %dma_start3A_29 = arith.constant 0 : i32
    %dma_start3A_30 = tpu.memref_slice %arg5[%dma_start3A_22, %dma_start3A_29] : memref<3x80xi32, #tpu.memory_space<vmem>> -> memref<1x80xi32, #tpu.memory_space<vmem>>
    %dma_start3A_31 = tpu.memref_squeeze %dma_start3A_30 : memref<1x80xi32, #tpu.memory_space<vmem>> -> memref<80xi32, #tpu.memory_space<vmem>>
    %dma_start3A_32 = arith.constant 0 : i32
    %dma_start3A_33 = arith.constant 0 : i32
    %dma_start3A_34 = tpu.memref_slice %arg2[%dma_start3A_32, %dma_start3A_33] : memref<10000x128xf32, #tpu.memory_space<hbm>> -> memref<10000x128xf32, #tpu.memory_space<hbm>>
    %dma_start3A_35 = tpu.memref_slice %arg10[%dma_start3A_24] : memref<3x!tpu.dma_semaphore, #tpu.memory_space<semaphore_mem>> -> memref<1x!tpu.dma_semaphore, #tpu.memory_space<semaphore_mem>>
    %dma_start3A_36 = tpu.memref_squeeze %dma_start3A_35 : memref<1x!tpu.dma_semaphore, #tpu.memory_space<semaphore_mem>> -> memref<!tpu.dma_semaphore, #tpu.memory_space<semaphore_mem>>
    tpu.enqueue_indirect_dma source(%dma_start3A_34 : memref<10000x128xf32, #tpu.memory_space<hbm>>) target(%dma_start3A_28 : memref<80x128xf32, #tpu.memory_space<vmem>>) offsets(%dma_start3A_31 : memref<80xi32, #tpu.memory_space<vmem>>) semaphore(%dma_start3A_36 : memref<!tpu.dma_semaphore, #tpu.memory_space<semaphore_mem>>)
    %add3A_37 = arith.constant 160 : i32
    %add3A_38 = arith.addi %mul3A_2, %add3A_37 : i32
    %dma_start3A_39 = arith.constant 2 : i32
    %dma_start3A_40 = arith.constant 2 : i32
    %dma_start3A_41 = arith.constant 0 : i32
    %dma_start3A_42 = tpu.memref_slice %arg5[%dma_start3A_39, %dma_start3A_41] : memref<3x80xi32, #tpu.memory_space<vmem>> -> memref<1x80xi32, #tpu.memory_space<vmem>>
    %dma_start3A_43 = tpu.memref_squeeze %dma_start3A_42 : memref<1x80xi32, #tpu.memory_space<vmem>> -> memref<80xi32, #tpu.memory_space<vmem>>
    %dma_start3A_44 = tpu.memref_slice %arg3[%add3A_38] : memref<640000xi32, #tpu.memory_space<hbm>> -> memref<80xi32, #tpu.memory_space<hbm>>
    %dma_start3A_45 = tpu.memref_slice %arg12[%dma_start3A_40] : memref<3x!tpu.dma_semaphore, #tpu.memory_space<semaphore_mem>> -> memref<1x!tpu.dma_semaphore, #tpu.memory_space<semaphore_mem>>
    %dma_start3A_46 = tpu.memref_squeeze %dma_start3A_45 : memref<1x!tpu.dma_semaphore, #tpu.memory_space<semaphore_mem>> -> memref<!tpu.dma_semaphore, #tpu.memory_space<semaphore_mem>>
    %dma_start3A_47 = arith.constant 0 : i32
    %dma_start3A_48 = tpu.memref_slice %arg5[%dma_start3A_39, %dma_start3A_47] : memref<3x80xi32, #tpu.memory_space<vmem>> -> memref<1x80xi32, #tpu.memory_space<vmem>>
    %dma_start3A_49 = tpu.memref_squeeze %dma_start3A_48 : memref<1x80xi32, #tpu.memory_space<vmem>> -> memref<80xi32, #tpu.memory_space<vmem>>
    %dma_start3A_50 = tpu.memref_slice %arg3[%add3A_38] : memref<640000xi32, #tpu.memory_space<hbm>> -> memref<80xi32, #tpu.memory_space<hbm>>
    tpu.enqueue_dma source(%dma_start3A_50 : memref<80xi32, #tpu.memory_space<hbm>>) target(%dma_start3A_49 : memref<80xi32, #tpu.memory_space<vmem>>) target_semaphore(%dma_start3A_46 : memref<!tpu.dma_semaphore, #tpu.memory_space<semaphore_mem>>)
    %scan3A = arith.constant 0 : i32
    %scan3A_51 = arith.constant 0 : i32
    %scan3A_52 = arith.constant 125 : i32
    %scan3A_53 = arith.addi %scan3A_51, %scan3A_52 : i32
    %scan3A_54 = arith.constant 1 : i32
    scf.for %scan3A_133 = %scan3A_51 to %scan3A_53 step %scan3A_54  : i32 {
      %add3A_134 = arith.constant 320000 : i32
      %add3A_135 = arith.addi %add3A_134, %mul3A_2 : i32
      %mul3A_136 = arith.constant 80 : i32
      %mul3A_137 = arith.muli %scan3A_133, %mul3A_136 : i32
      %add3A_138 = arith.addi %add3A_135, %mul3A_137 : i32
      %dma_start3A_139 = arith.constant 0 : i32
      %dma_start3A_140 = tpu.memref_slice %arg6[%scan3A_133, %dma_start3A_139] : memref<125x80xi32, #tpu.memory_space<vmem>> -> memref<1x80xi32, #tpu.memory_space<vmem>>
      %dma_start3A_141 = tpu.memref_squeeze %dma_start3A_140 : memref<1x80xi32, #tpu.memory_space<vmem>> -> memref<80xi32, #tpu.memory_space<vmem>>
      %dma_start3A_142 = tpu.memref_slice %arg3[%add3A_138] : memref<640000xi32, #tpu.memory_space<hbm>> -> memref<80xi32, #tpu.memory_space<hbm>>
      %dma_start3A_143 = arith.constant 0 : i32
      %dma_start3A_144 = tpu.memref_slice %arg6[%scan3A_133, %dma_start3A_143] : memref<125x80xi32, #tpu.memory_space<vmem>> -> memref<1x80xi32, #tpu.memory_space<vmem>>
      %dma_start3A_145 = tpu.memref_squeeze %dma_start3A_144 : memref<1x80xi32, #tpu.memory_space<vmem>> -> memref<80xi32, #tpu.memory_space<vmem>>
      %dma_start3A_146 = tpu.memref_slice %arg3[%add3A_138] : memref<640000xi32, #tpu.memory_space<hbm>> -> memref<80xi32, #tpu.memory_space<hbm>>
      tpu.enqueue_dma source(%dma_start3A_146 : memref<80xi32, #tpu.memory_space<hbm>>) target(%dma_start3A_145 : memref<80xi32, #tpu.memory_space<vmem>>) target_semaphore(%arg13 : memref<!tpu.dma_semaphore, #tpu.memory_space<semaphore_mem>>)
    }
    %scan3A_55 = arith.constant 125 : i32
    %scan3A_56 = arith.constant 0 : i32
    %scan3A_57 = arith.constant 0 : i32
    %scan3A_58 = arith.constant 125 : i32
    %scan3A_59 = arith.addi %scan3A_57, %scan3A_58 : i32
    %scan3A_60 = arith.constant 1 : i32
    scf.for %scan3A_133 = %scan3A_57 to %scan3A_59 step %scan3A_60  : i32 {
      %add3A_134 = arith.constant 320000 : i32
      %add3A_135 = arith.addi %add3A_134, %mul3A_2 : i32
      %dma_wait3A_136 = arith.constant 0 : i32
      %dma_wait3A_137 = arith.constant 0 : i32
      %dma_wait3A_138 = tpu.memref_slice %arg6[%dma_wait3A_136, %dma_wait3A_137] : memref<125x80xi32, #tpu.memory_space<vmem>> -> memref<1x80xi32, #tpu.memory_space<vmem>>
      %dma_wait3A_139 = tpu.memref_squeeze %dma_wait3A_138 : memref<1x80xi32, #tpu.memory_space<vmem>> -> memref<80xi32, #tpu.memory_space<vmem>>
      %dma_wait3A_140 = tpu.memref_slice %arg3[%add3A_135] : memref<640000xi32, #tpu.memory_space<hbm>> -> memref<80xi32, #tpu.memory_space<hbm>>
      %dma_wait3A_141 = arith.constant 0 : i32
      %dma_wait3A_142 = tpu.memref_slice %arg6[%dma_wait3A_136, %dma_wait3A_141] : memref<125x80xi32, #tpu.memory_space<vmem>> -> memref<1x80xi32, #tpu.memory_space<vmem>>
      %dma_wait3A_143 = tpu.memref_squeeze %dma_wait3A_142 : memref<1x80xi32, #tpu.memory_space<vmem>> -> memref<80xi32, #tpu.memory_space<vmem>>
      %dma_wait3A_144 = tpu.memref_slice %arg3[%add3A_135] : memref<640000xi32, #tpu.memory_space<hbm>> -> memref<80xi32, #tpu.memory_space<hbm>>
      tpu.wait_dma2 semaphore(%arg13 : memref<!tpu.dma_semaphore, #tpu.memory_space<semaphore_mem>>) src(%dma_wait3A_144 : memref<80xi32, #tpu.memory_space<hbm>>) dst(%dma_wait3A_143 : memref<80xi32, #tpu.memory_space<vmem>>)
    }
    %scan3A_61 = arith.constant 125 : i32
    %scan3A_62 = arith.constant 0 : i32
    %scan3A_63 = arith.constant 0 : i32
    %scan3A_64 = arith.constant 64 : i32
    %scan3A_65 = arith.addi %scan3A_63, %scan3A_64 : i32
    %scan3A_66 = arith.constant 1 : i32
    scf.for %scan3A_133 = %scan3A_63 to %scan3A_65 step %scan3A_66  : i32 {
      %broadcast_in_dim3A = arith.constant 0.000000e+00 : f32
      %broadcast_in_dim3A_134 = vector.broadcast %broadcast_in_dim3A : f32 to vector<16xf32>
      %jit3A = arith.constant 8 : i32
      %div3A = arith.divsi %scan3A_133, %jit3A : i32
      %sign3A = arith.constant 0 : i32
      %sign3A_135 = arith.cmpi sgt, %scan3A_133, %sign3A : i32
      %sign3A_136 = arith.extui %sign3A_135 : i1 to i32
      %sign3A_137 = arith.constant 0 : i32
      %sign3A_138 = arith.cmpi slt, %scan3A_133, %sign3A_137 : i32
      %sign3A_139 = arith.extui %sign3A_138 : i1 to i32
      %sign3A_140 = arith.subi %sign3A_136, %sign3A_139 : i32
      %sign3A_141 = arith.constant 0 : i32
      %sign3A_142 = arith.cmpi sgt, %jit3A, %sign3A_141 : i32
      %sign3A_143 = arith.extui %sign3A_142 : i1 to i32
      %sign3A_144 = arith.constant 0 : i32
      %sign3A_145 = arith.cmpi slt, %jit3A, %sign3A_144 : i32
      %sign3A_146 = arith.extui %sign3A_145 : i1 to i32
      %sign3A_147 = arith.subi %sign3A_143, %sign3A_146 : i32
      %ne3A = arith.cmpi ne, %sign3A_140, %sign3A_147 : i32
      %rem3A = arith.remsi %scan3A_133, %jit3A : i32
      %ne3A_148 = arith.constant 0 : i32
      %ne3A_149 = arith.cmpi ne, %rem3A, %ne3A_148 : i32
      %and3A = arith.andi %ne3A, %ne3A_149 : i1
      %sub3A = arith.constant 1 : i32
      %sub3A_150 = arith.subi %div3A, %sub3A : i32
      %select_n3A = arith.select %and3A, %sub3A_150, %div3A : i32
      %jit3A_151 = arith.constant 8 : i32
      %eq3A = arith.constant 0 : i32
      %eq3A_152 = arith.cmpi eq, %jit3A_151, %eq3A : i32
      %jit3A_153 = arith.constant 1 : i32
      %select_n3A_154 = arith.select %eq3A_152, %jit3A_153, %jit3A_151 : i32
      %rem3A_155 = arith.remsi %scan3A_133, %select_n3A_154 : i32
      %ne3A_156 = arith.constant 0 : i32
      %ne3A_157 = arith.cmpi ne, %rem3A_155, %ne3A_156 : i32
      %lt3A = arith.constant 0 : i32
      %lt3A_158 = arith.cmpi slt, %rem3A_155, %lt3A : i32
      %lt3A_159 = arith.constant 0 : i32
      %lt3A_160 = arith.cmpi slt, %select_n3A_154, %lt3A_159 : i32
      %ne3A_161 = arith.xori %lt3A_158, %lt3A_160 : i1
      %and3A_162 = arith.andi %ne3A_161, %ne3A_157 : i1
      %add3A_163 = arith.addi %rem3A_155, %select_n3A_154 : i32
      %select_n3A_164 = arith.select %and3A_162, %add3A_163, %rem3A_155 : i32
      %mul3A_165 = arith.constant 16 : i32
      %mul3A_166 = arith.muli %select_n3A_164, %mul3A_165 : i32
      %swap3A = arith.index_cast %select_n3A : i32 to index
      %swap3A_167 = arith.index_cast %mul3A_166 : i32 to index
      %swap3A_168 = tpu.vector_load %arg8[%swap3A, %swap3A_167] {strides = array<i32>} : memref<8x128xf32, #tpu.memory_space<vmem>>, vector<1x16xf32>,
      %swap3A_169 = vector.shape_cast %swap3A_168 : vector<1x16xf32> to vector<16xf32>
      %swap3A_170 = vector.shape_cast %broadcast_in_dim3A_134 : vector<16xf32> to vector<1x16xf32>
      tpu.vector_store %arg8[%swap3A, %swap3A_167], %swap3A_170 {strides = array<i32>} : memref<8x128xf32, #tpu.memory_space<vmem>>, vector<1x16xf32>,
    }
    %scan3A_67 = arith.constant 64 : i32
    %mul3A_68 = arith.constant 632 : i32
    %mul3A_69 = arith.muli %arg1, %mul3A_68 : i32
    %scan3A_70 = arith.constant 0 : i32
    %scan3A_71 = arith.constant 0 : i32
    %scan3A_72 = arith.constant 79 : i32
    %scan3A_73 = arith.addi %scan3A_71, %scan3A_72 : i32
    %scan3A_74 = arith.constant 1 : i32
    scf.for %scan3A_133 = %scan3A_71 to %scan3A_73 step %scan3A_74  : i32 {
      %mul3A_134 = arith.constant 8 : i32
      %mul3A_135 = arith.muli %scan3A_133, %mul3A_134 : i32
      %add3A_136 = arith.addi %mul3A_69, %mul3A_135 : i32
      %dma_start3A_137 = arith.constant 0 : i32
      %dma_start3A_138 = tpu.memref_slice %arg9[%add3A_136, %dma_start3A_137] : memref<10112x128xf32, #tpu.memory_space<vmem_shared>> -> memref<8x128xf32, #tpu.memory_space<vmem_shared>>
      %dma_start3A_139 = arith.constant 0 : i32
      %dma_start3A_140 = tpu.memref_slice %arg9[%add3A_136, %dma_start3A_139] : memref<10112x128xf32, #tpu.memory_space<vmem_shared>> -> memref<8x128xf32, #tpu.memory_space<vmem_shared>>
      tpu.enqueue_dma source(%arg8 : memref<8x128xf32, #tpu.memory_space<vmem>>) target(%dma_start3A_140 : memref<8x128xf32, #tpu.memory_space<vmem_shared>>) target_semaphore(%arg13 : memref<!tpu.dma_semaphore, #tpu.memory_space<semaphore_mem>>)
    }
    %scan3A_75 = arith.constant 79 : i32
    %scan3A_76 = arith.constant 0 : i32
    %scan3A_77 = arith.constant 0 : i32
    %scan3A_78 = arith.constant 79 : i32
    %scan3A_79 = arith.addi %scan3A_77, %scan3A_78 : i32
    %scan3A_80 = arith.constant 1 : i32
    scf.for %scan3A_133 = %scan3A_77 to %scan3A_79 step %scan3A_80  : i32 {
      %dma_wait3A_134 = arith.constant 0 : i32
      %dma_wait3A_135 = tpu.memref_slice %arg9[%mul3A_69, %dma_wait3A_134] : memref<10112x128xf32, #tpu.memory_space<vmem_shared>> -> memref<8x128xf32, #tpu.memory_space<vmem_shared>>
      %dma_wait3A_136 = arith.constant 0 : i32
      %dma_wait3A_137 = tpu.memref_slice %arg9[%mul3A_69, %dma_wait3A_136] : memref<10112x128xf32, #tpu.memory_space<vmem_shared>> -> memref<8x128xf32, #tpu.memory_space<vmem_shared>>
      tpu.wait_dma2 semaphore(%arg13 : memref<!tpu.dma_semaphore, #tpu.memory_space<semaphore_mem>>) src(%arg8 : memref<8x128xf32, #tpu.memory_space<vmem>>) dst(%dma_wait3A_137 : memref<8x128xf32, #tpu.memory_space<vmem_shared>>)
    }
    %scan3A_81 = arith.constant 79 : i32
    %barrier3A = arith.constant 0 : index
    tpu.barrier barrier_id(%barrier3A)
    %scan3A_82 = arith.constant 0 : i32
    %scan3A_83 = arith.constant 0 : i32
    %scan3A_84 = arith.constant 125 : i32
    %scan3A_85 = arith.addi %scan3A_83, %scan3A_84 : i32
    %scan3A_86 = arith.constant 1 : i32
    scf.for %scan3A_133 = %scan3A_83 to %scan3A_85 step %scan3A_86  : i32 {
      %jit3A = arith.constant 3 : i32
      %eq3A = arith.constant 0 : i32
      %eq3A_134 = arith.cmpi eq, %jit3A, %eq3A : i32
      %jit3A_135 = arith.constant 1 : i32
      %select_n3A = arith.select %eq3A_134, %jit3A_135, %jit3A : i32
      %rem3A = arith.remsi %scan3A_133, %select_n3A : i32
      %ne3A = arith.constant 0 : i32
      %ne3A_136 = arith.cmpi ne, %rem3A, %ne3A : i32
      %lt3A = arith.constant 0 : i32
      %lt3A_137 = arith.cmpi slt, %rem3A, %lt3A : i32
      %lt3A_138 = arith.constant 0 : i32
      %lt3A_139 = arith.cmpi slt, %select_n3A, %lt3A_138 : i32
      %ne3A_140 = arith.xori %lt3A_137, %lt3A_139 : i1
      %and3A = arith.andi %ne3A_140, %ne3A_136 : i1
      %add3A_141 = arith.addi %rem3A, %select_n3A : i32
      %select_n3A_142 = arith.select %and3A, %add3A_141, %rem3A : i32
      %add3A_143 = arith.constant 2 : i32
      %add3A_144 = arith.addi %scan3A_133, %add3A_143 : i32
      %jit3A_145 = arith.constant 3 : i32
      %eq3A_146 = arith.constant 0 : i32
      %eq3A_147 = arith.cmpi eq, %jit3A_145, %eq3A_146 : i32
      %jit3A_148 = arith.constant 1 : i32
      %select_n3A_149 = arith.select %eq3A_147, %jit3A_148, %jit3A_145 : i32
      %rem3A_150 = arith.remsi %add3A_144, %select_n3A_149 : i32
      %ne3A_151 = arith.constant 0 : i32
      %ne3A_152 = arith.cmpi ne, %rem3A_150, %ne3A_151 : i32
      %lt3A_153 = arith.constant 0 : i32
      %lt3A_154 = arith.cmpi slt, %rem3A_150, %lt3A_153 : i32
      %lt3A_155 = arith.constant 0 : i32
      %lt3A_156 = arith.cmpi slt, %select_n3A_149, %lt3A_155 : i32
      %ne3A_157 = arith.xori %lt3A_154, %lt3A_156 : i1
      %and3A_158 = arith.andi %ne3A_157, %ne3A_152 : i1
      %add3A_159 = arith.addi %rem3A_150, %select_n3A_149 : i32
      %select_n3A_160 = arith.select %and3A_158, %add3A_159, %rem3A_150 : i32
      %dma_wait3A_161 = arith.constant 0 : i32
      %dma_wait3A_162 = arith.constant 0 : i32
      %dma_wait3A_163 = arith.constant 0 : i32
      %dma_wait3A_164 = tpu.memref_slice %arg7[%select_n3A_142, %dma_wait3A_162, %dma_wait3A_163] : memref<3x80x128xf32, #tpu.memory_space<vmem>> -> memref<1x80x128xf32, #tpu.memory_space<vmem>>
      %dma_wait3A_165 = tpu.memref_squeeze %dma_wait3A_164 : memref<1x80x128xf32, #tpu.memory_space<vmem>> -> memref<80x128xf32, #tpu.memory_space<vmem>>
      %dma_wait3A_166 = arith.constant 0 : i32
      %dma_wait3A_167 = tpu.memref_slice %arg5[%dma_wait3A_161, %dma_wait3A_166] : memref<3x80xi32, #tpu.memory_space<vmem>> -> memref<1x80xi32, #tpu.memory_space<vmem>>
      %dma_wait3A_168 = tpu.memref_squeeze %dma_wait3A_167 : memref<1x80xi32, #tpu.memory_space<vmem>> -> memref<80xi32, #tpu.memory_space<vmem>>
      %dma_wait3A_169 = arith.constant 0 : i32
      %dma_wait3A_170 = arith.constant 0 : i32
      %dma_wait3A_171 = tpu.memref_slice %arg2[%dma_wait3A_169, %dma_wait3A_170] : memref<10000x128xf32, #tpu.memory_space<hbm>> -> memref<10000x128xf32, #tpu.memory_space<hbm>>
      %dma_wait3A_172 = tpu.memref_slice %arg10[%select_n3A_142] : memref<3x!tpu.dma_semaphore, #tpu.memory_space<semaphore_mem>> -> memref<1x!tpu.dma_semaphore, #tpu.memory_space<semaphore_mem>>
      %dma_wait3A_173 = tpu.memref_squeeze %dma_wait3A_172 : memref<1x!tpu.dma_semaphore, #tpu.memory_space<semaphore_mem>> -> memref<!tpu.dma_semaphore, #tpu.memory_space<semaphore_mem>>
      tpu.wait_indirect_dma semaphore(%dma_wait3A_173 : memref<!tpu.dma_semaphore, #tpu.memory_space<semaphore_mem>>) src(%dma_wait3A_171 : memref<10000x128xf32, #tpu.memory_space<hbm>>) dst(%dma_wait3A_165 : memref<80x128xf32, #tpu.memory_space<vmem>>)
      %dma_start3A_174 = arith.constant 0 : i32
      %dma_start3A_175 = arith.constant 0 : i32
      %dma_start3A_176 = tpu.memref_slice %arg7[%select_n3A_142, %dma_start3A_174, %dma_start3A_175] : memref<3x80x128xf32, #tpu.memory_space<vmem>> -> memref<1x80x128xf32, #tpu.memory_space<vmem>>
      %dma_start3A_177 = tpu.memref_squeeze %dma_start3A_176 : memref<1x80x128xf32, #tpu.memory_space<vmem>> -> memref<80x128xf32, #tpu.memory_space<vmem>>
      %dma_start3A_178 = arith.constant 0 : i32
      %dma_start3A_179 = tpu.memref_slice %arg6[%scan3A_133, %dma_start3A_178] : memref<125x80xi32, #tpu.memory_space<vmem>> -> memref<1x80xi32, #tpu.memory_space<vmem>>
      %dma_start3A_180 = tpu.memref_squeeze %dma_start3A_179 : memref<1x80xi32, #tpu.memory_space<vmem>> -> memref<80xi32, #tpu.memory_space<vmem>>
      %dma_start3A_181 = arith.constant 0 : i32
      %dma_start3A_182 = arith.constant 0 : i32
      %dma_start3A_183 = tpu.memref_slice %arg9[%dma_start3A_181, %dma_start3A_182] : memref<10112x128xf32, #tpu.memory_space<vmem_shared>> -> memref<10112x128xf32, #tpu.memory_space<vmem_shared>>
      %dma_start3A_184 = tpu.memref_slice %arg11[%select_n3A_142] : memref<3x!tpu.dma_semaphore, #tpu.memory_space<semaphore_mem>> -> memref<1x!tpu.dma_semaphore, #tpu.memory_space<semaphore_mem>>
      %dma_start3A_185 = tpu.memref_squeeze %dma_start3A_184 : memref<1x!tpu.dma_semaphore, #tpu.memory_space<semaphore_mem>> -> memref<!tpu.dma_semaphore, #tpu.memory_space<semaphore_mem>>
      tpu.enqueue_indirect_dma source(%dma_start3A_177 : memref<80x128xf32, #tpu.memory_space<vmem>>) target(%dma_start3A_183 : memref<10112x128xf32, #tpu.memory_space<vmem_shared>>) offsets(%dma_start3A_180 : memref<80xi32, #tpu.memory_space<vmem>>) semaphore(%dma_start3A_185 : memref<!tpu.dma_semaphore, #tpu.memory_space<semaphore_mem>>) {add = true}
      %add3A_186 = arith.constant 2 : i32
      %add3A_187 = arith.addi %scan3A_133, %add3A_186 : i32
      %lt3A_188 = arith.constant 125 : i32
      %lt3A_189 = arith.cmpi slt, %add3A_187, %lt3A_188 : i32
      %convert_element_type3A = arith.extui %lt3A_189 : i1 to i32
      %cond3A = arith.constant 0 : i32
      %cond3A_190 = arith.cmpi ne, %convert_element_type3A, %cond3A : i32
      scf.if %cond3A_190 {
        %add3A_198 = arith.constant 0 : i32
        %add3A_199 = arith.addi %mul3A_2, %add3A_198 : i32
        %dma_wait3A_200 = arith.constant 0 : i32
        %dma_wait3A_201 = tpu.memref_slice %arg5[%select_n3A_160, %dma_wait3A_200] : memref<3x80xi32, #tpu.memory_space<vmem>> -> memref<1x80xi32, #tpu.memory_space<vmem>>
        %dma_wait3A_202 = tpu.memref_squeeze %dma_wait3A_201 : memref<1x80xi32, #tpu.memory_space<vmem>> -> memref<80xi32, #tpu.memory_space<vmem>>
        %dma_wait3A_203 = tpu.memref_slice %arg3[%add3A_199] : memref<640000xi32, #tpu.memory_space<hbm>> -> memref<80xi32, #tpu.memory_space<hbm>>
        %dma_wait3A_204 = tpu.memref_slice %arg12[%select_n3A_160] : memref<3x!tpu.dma_semaphore, #tpu.memory_space<semaphore_mem>> -> memref<1x!tpu.dma_semaphore, #tpu.memory_space<semaphore_mem>>
        %dma_wait3A_205 = tpu.memref_squeeze %dma_wait3A_204 : memref<1x!tpu.dma_semaphore, #tpu.memory_space<semaphore_mem>> -> memref<!tpu.dma_semaphore, #tpu.memory_space<semaphore_mem>>
        %dma_wait3A_206 = arith.constant 0 : i32
        %dma_wait3A_207 = tpu.memref_slice %arg5[%select_n3A_160, %dma_wait3A_206] : memref<3x80xi32, #tpu.memory_space<vmem>> -> memref<1x80xi32, #tpu.memory_space<vmem>>
        %dma_wait3A_208 = tpu.memref_squeeze %dma_wait3A_207 : memref<1x80xi32, #tpu.memory_space<vmem>> -> memref<80xi32, #tpu.memory_space<vmem>>
        %dma_wait3A_209 = tpu.memref_slice %arg3[%add3A_199] : memref<640000xi32, #tpu.memory_space<hbm>> -> memref<80xi32, #tpu.memory_space<hbm>>
        tpu.wait_dma2 semaphore(%dma_wait3A_205 : memref<!tpu.dma_semaphore, #tpu.memory_space<semaphore_mem>>) src(%dma_wait3A_209 : memref<80xi32, #tpu.memory_space<hbm>>) dst(%dma_wait3A_208 : memref<80xi32, #tpu.memory_space<vmem>>)
        %ge3A = arith.constant 1 : i32
        %ge3A_210 = arith.cmpi sge, %scan3A_133, %ge3A : i32
        %convert_element_type3A_211 = arith.extui %ge3A_210 : i1 to i32
        %cond3A_212 = arith.constant 0 : i32
        %cond3A_213 = arith.cmpi ne, %convert_element_type3A_211, %cond3A_212 : i32
        scf.if %cond3A_213 {
          %dma_wait3A_226 = arith.constant 0 : i32
          %dma_wait3A_227 = arith.constant 0 : i32
          %dma_wait3A_228 = arith.constant 0 : i32
          %dma_wait3A_229 = tpu.memref_slice %arg7[%select_n3A_160, %dma_wait3A_227, %dma_wait3A_228] : memref<3x80x128xf32, #tpu.memory_space<vmem>> -> memref<1x80x128xf32, #tpu.memory_space<vmem>>
          %dma_wait3A_230 = tpu.memref_squeeze %dma_wait3A_229 : memref<1x80x128xf32, #tpu.memory_space<vmem>> -> memref<80x128xf32, #tpu.memory_space<vmem>>
          %dma_wait3A_231 = arith.constant 0 : i32
          %dma_wait3A_232 = tpu.memref_slice %arg6[%dma_wait3A_226, %dma_wait3A_231] : memref<125x80xi32, #tpu.memory_space<vmem>> -> memref<1x80xi32, #tpu.memory_space<vmem>>
          %dma_wait3A_233 = tpu.memref_squeeze %dma_wait3A_232 : memref<1x80xi32, #tpu.memory_space<vmem>> -> memref<80xi32, #tpu.memory_space<vmem>>
          %dma_wait3A_234 = arith.constant 0 : i32
          %dma_wait3A_235 = arith.constant 0 : i32
          %dma_wait3A_236 = tpu.memref_slice %arg9[%dma_wait3A_234, %dma_wait3A_235] : memref<10112x128xf32, #tpu.memory_space<vmem_shared>> -> memref<10112x128xf32, #tpu.memory_space<vmem_shared>>
          %dma_wait3A_237 = tpu.memref_slice %arg11[%select_n3A_160] : memref<3x!tpu.dma_semaphore, #tpu.memory_space<semaphore_mem>> -> memref<1x!tpu.dma_semaphore, #tpu.memory_space<semaphore_mem>>
          %dma_wait3A_238 = tpu.memref_squeeze %dma_wait3A_237 : memref<1x!tpu.dma_semaphore, #tpu.memory_space<semaphore_mem>> -> memref<!tpu.dma_semaphore, #tpu.memory_space<semaphore_mem>>
          tpu.wait_indirect_dma semaphore(%dma_wait3A_238 : memref<!tpu.dma_semaphore, #tpu.memory_space<semaphore_mem>>) src(%dma_wait3A_230 : memref<80x128xf32, #tpu.memory_space<vmem>>) dst(%dma_wait3A_236 : memref<10112x128xf32, #tpu.memory_space<vmem_shared>>)
        } else {
        }
        %dma_start3A_214 = arith.constant 0 : i32
        %dma_start3A_215 = arith.constant 0 : i32
        %dma_start3A_216 = tpu.memref_slice %arg7[%select_n3A_160, %dma_start3A_214, %dma_start3A_215] : memref<3x80x128xf32, #tpu.memory_space<vmem>> -> memref<1x80x128xf32, #tpu.memory_space<vmem>>
        %dma_start3A_217 = tpu.memref_squeeze %dma_start3A_216 : memref<1x80x128xf32, #tpu.memory_space<vmem>> -> memref<80x128xf32, #tpu.memory_space<vmem>>
        %dma_start3A_218 = arith.constant 0 : i32
        %dma_start3A_219 = tpu.memref_slice %arg5[%select_n3A_160, %dma_start3A_218] : memref<3x80xi32, #tpu.memory_space<vmem>> -> memref<1x80xi32, #tpu.memory_space<vmem>>
        %dma_start3A_220 = tpu.memref_squeeze %dma_start3A_219 : memref<1x80xi32, #tpu.memory_space<vmem>> -> memref<80xi32, #tpu.memory_space<vmem>>
        %dma_start3A_221 = arith.constant 0 : i32
        %dma_start3A_222 = arith.constant 0 : i32
        %dma_start3A_223 = tpu.memref_slice %arg2[%dma_start3A_221, %dma_start3A_222] : memref<10000x128xf32, #tpu.memory_space<hbm>> -> memref<10000x128xf32, #tpu.memory_space<hbm>>
        %dma_start3A_224 = tpu.memref_slice %arg10[%select_n3A_160] : memref<3x!tpu.dma_semaphore, #tpu.memory_space<semaphore_mem>> -> memref<1x!tpu.dma_semaphore, #tpu.memory_space<semaphore_mem>>
        %dma_start3A_225 = tpu.memref_squeeze %dma_start3A_224 : memref<1x!tpu.dma_semaphore, #tpu.memory_space<semaphore_mem>> -> memref<!tpu.dma_semaphore, #tpu.memory_space<semaphore_mem>>
        tpu.enqueue_indirect_dma source(%dma_start3A_223 : memref<10000x128xf32, #tpu.memory_space<hbm>>) target(%dma_start3A_217 : memref<80x128xf32, #tpu.memory_space<vmem>>) offsets(%dma_start3A_220 : memref<80xi32, #tpu.memory_space<vmem>>) semaphore(%dma_start3A_225 : memref<!tpu.dma_semaphore, #tpu.memory_space<semaphore_mem>>)
      } else {
      }
      %add3A_191 = arith.constant 3 : i32
      %add3A_192 = arith.addi %scan3A_133, %add3A_191 : i32
      %lt3A_193 = arith.constant 125 : i32
      %lt3A_194 = arith.cmpi slt, %add3A_192, %lt3A_193 : i32
      %convert_element_type3A_195 = arith.extui %lt3A_194 : i1 to i32
      %cond3A_196 = arith.constant 0 : i32
      %cond3A_197 = arith.cmpi ne, %convert_element_type3A_195, %cond3A_196 : i32
      scf.if %cond3A_197 {
        %add3A_198 = arith.constant 3 : i32
        %add3A_199 = arith.addi %scan3A_133, %add3A_198 : i32
        %mul3A_200 = arith.constant 80 : i32
        %mul3A_201 = arith.muli %add3A_199, %mul3A_200 : i32
        %add3A_202 = arith.addi %mul3A_2, %mul3A_201 : i32
        %dma_start3A_203 = arith.constant 0 : i32
        %dma_start3A_204 = tpu.memref_slice %arg5[%select_n3A_142, %dma_start3A_203] : memref<3x80xi32, #tpu.memory_space<vmem>> -> memref<1x80xi32, #tpu.memory_space<vmem>>
        %dma_start3A_205 = tpu.memref_squeeze %dma_start3A_204 : memref<1x80xi32, #tpu.memory_space<vmem>> -> memref<80xi32, #tpu.memory_space<vmem>>
        %dma_start3A_206 = tpu.memref_slice %arg3[%add3A_202] : memref<640000xi32, #tpu.memory_space<hbm>> -> memref<80xi32, #tpu.memory_space<hbm>>
        %dma_start3A_207 = tpu.memref_slice %arg12[%select_n3A_142] : memref<3x!tpu.dma_semaphore, #tpu.memory_space<semaphore_mem>> -> memref<1x!tpu.dma_semaphore, #tpu.memory_space<semaphore_mem>>
        %dma_start3A_208 = tpu.memref_squeeze %dma_start3A_207 : memref<1x!tpu.dma_semaphore, #tpu.memory_space<semaphore_mem>> -> memref<!tpu.dma_semaphore, #tpu.memory_space<semaphore_mem>>
        %dma_start3A_209 = arith.constant 0 : i32
        %dma_start3A_210 = tpu.memref_slice %arg5[%select_n3A_142, %dma_start3A_209] : memref<3x80xi32, #tpu.memory_space<vmem>> -> memref<1x80xi32, #tpu.memory_space<vmem>>
        %dma_start3A_211 = tpu.memref_squeeze %dma_start3A_210 : memref<1x80xi32, #tpu.memory_space<vmem>> -> memref<80xi32, #tpu.memory_space<vmem>>
        %dma_start3A_212 = tpu.memref_slice %arg3[%add3A_202] : memref<640000xi32, #tpu.memory_space<hbm>> -> memref<80xi32, #tpu.memory_space<hbm>>
        tpu.enqueue_dma source(%dma_start3A_212 : memref<80xi32, #tpu.memory_space<hbm>>) target(%dma_start3A_211 : memref<80xi32, #tpu.memory_space<vmem>>) target_semaphore(%dma_start3A_208 : memref<!tpu.dma_semaphore, #tpu.memory_space<semaphore_mem>>)
      } else {
      }
    }
    %scan3A_87 = arith.constant 125 : i32
    %dma_wait3A = arith.constant 1 : i32
    %dma_wait3A_88 = arith.constant 0 : i32
    %dma_wait3A_89 = arith.constant 1 : i32
    %dma_wait3A_90 = arith.constant 0 : i32
    %dma_wait3A_91 = arith.constant 0 : i32
    %dma_wait3A_92 = tpu.memref_slice %arg7[%dma_wait3A, %dma_wait3A_90, %dma_wait3A_91] : memref<3x80x128xf32, #tpu.memory_space<vmem>> -> memref<1x80x128xf32, #tpu.memory_space<vmem>>
    %dma_wait3A_93 = tpu.memref_squeeze %dma_wait3A_92 : memref<1x80x128xf32, #tpu.memory_space<vmem>> -> memref<80x128xf32, #tpu.memory_space<vmem>>
    %dma_wait3A_94 = arith.constant 0 : i32
    %dma_wait3A_95 = tpu.memref_slice %arg6[%dma_wait3A_88, %dma_wait3A_94] : memref<125x80xi32, #tpu.memory_space<vmem>> -> memref<1x80xi32, #tpu.memory_space<vmem>>
    %dma_wait3A_96 = tpu.memref_squeeze %dma_wait3A_95 : memref<1x80xi32, #tpu.memory_space<vmem>> -> memref<80xi32, #tpu.memory_space<vmem>>
    %dma_wait3A_97 = arith.constant 0 : i32
    %dma_wait3A_98 = arith.constant 0 : i32
    %dma_wait3A_99 = tpu.memref_slice %arg9[%dma_wait3A_97, %dma_wait3A_98] : memref<10112x128xf32, #tpu.memory_space<vmem_shared>> -> memref<10112x128xf32, #tpu.memory_space<vmem_shared>>
    %dma_wait3A_100 = tpu.memref_slice %arg11[%dma_wait3A_89] : memref<3x!tpu.dma_semaphore, #tpu.memory_space<semaphore_mem>> -> memref<1x!tpu.dma_semaphore, #tpu.memory_space<semaphore_mem>>
    %dma_wait3A_101 = tpu.memref_squeeze %dma_wait3A_100 : memref<1x!tpu.dma_semaphore, #tpu.memory_space<semaphore_mem>> -> memref<!tpu.dma_semaphore, #tpu.memory_space<semaphore_mem>>
    tpu.wait_indirect_dma semaphore(%dma_wait3A_101 : memref<!tpu.dma_semaphore, #tpu.memory_space<semaphore_mem>>) src(%dma_wait3A_93 : memref<80x128xf32, #tpu.memory_space<vmem>>) dst(%dma_wait3A_99 : memref<10112x128xf32, #tpu.memory_space<vmem_shared>>)
    %dma_wait3A_102 = arith.constant 0 : i32
    %dma_wait3A_103 = arith.constant 0 : i32
    %dma_wait3A_104 = arith.constant 0 : i32
    %dma_wait3A_105 = arith.constant 0 : i32
    %dma_wait3A_106 = arith.constant 0 : i32
    %dma_wait3A_107 = tpu.memref_slice %arg7[%dma_wait3A_102, %dma_wait3A_105, %dma_wait3A_106] : memref<3x80x128xf32, #tpu.memory_space<vmem>> -> memref<1x80x128xf32, #tpu.memory_space<vmem>>
    %dma_wait3A_108 = tpu.memref_squeeze %dma_wait3A_107 : memref<1x80x128xf32, #tpu.memory_space<vmem>> -> memref<80x128xf32, #tpu.memory_space<vmem>>
    %dma_wait3A_109 = arith.constant 0 : i32
    %dma_wait3A_110 = tpu.memref_slice %arg6[%dma_wait3A_103, %dma_wait3A_109] : memref<125x80xi32, #tpu.memory_space<vmem>> -> memref<1x80xi32, #tpu.memory_space<vmem>>
    %dma_wait3A_111 = tpu.memref_squeeze %dma_wait3A_110 : memref<1x80xi32, #tpu.memory_space<vmem>> -> memref<80xi32, #tpu.memory_space<vmem>>
    %dma_wait3A_112 = arith.constant 0 : i32
    %dma_wait3A_113 = arith.constant 0 : i32
    %dma_wait3A_114 = tpu.memref_slice %arg9[%dma_wait3A_112, %dma_wait3A_113] : memref<10112x128xf32, #tpu.memory_space<vmem_shared>> -> memref<10112x128xf32, #tpu.memory_space<vmem_shared>>
    %dma_wait3A_115 = tpu.memref_slice %arg11[%dma_wait3A_104] : memref<3x!tpu.dma_semaphore, #tpu.memory_space<semaphore_mem>> -> memref<1x!tpu.dma_semaphore, #tpu.memory_space<semaphore_mem>>
    %dma_wait3A_116 = tpu.memref_squeeze %dma_wait3A_115 : memref<1x!tpu.dma_semaphore, #tpu.memory_space<semaphore_mem>> -> memref<!tpu.dma_semaphore, #tpu.memory_space<semaphore_mem>>
    tpu.wait_indirect_dma semaphore(%dma_wait3A_116 : memref<!tpu.dma_semaphore, #tpu.memory_space<semaphore_mem>>) src(%dma_wait3A_108 : memref<80x128xf32, #tpu.memory_space<vmem>>) dst(%dma_wait3A_114 : memref<10112x128xf32, #tpu.memory_space<vmem_shared>>)
    %dma_wait3A_117 = arith.constant 2 : i32
    %dma_wait3A_118 = arith.constant 0 : i32
    %dma_wait3A_119 = arith.constant 2 : i32
    %dma_wait3A_120 = arith.constant 0 : i32
    %dma_wait3A_121 = arith.constant 0 : i32
    %dma_wait3A_122 = tpu.memref_slice %arg7[%dma_wait3A_117, %dma_wait3A_120, %dma_wait3A_121] : memref<3x80x128xf32, #tpu.memory_space<vmem>> -> memref<1x80x128xf32, #tpu.memory_space<vmem>>
    %dma_wait3A_123 = tpu.memref_squeeze %dma_wait3A_122 : memref<1x80x128xf32, #tpu.memory_space<vmem>> -> memref<80x128xf32, #tpu.memory_space<vmem>>
    %dma_wait3A_124 = arith.constant 0 : i32
    %dma_wait3A_125 = tpu.memref_slice %arg6[%dma_wait3A_118, %dma_wait3A_124] : memref<125x80xi32, #tpu.memory_space<vmem>> -> memref<1x80xi32, #tpu.memory_space<vmem>>
    %dma_wait3A_126 = tpu.memref_squeeze %dma_wait3A_125 : memref<1x80xi32, #tpu.memory_space<vmem>> -> memref<80xi32, #tpu.memory_space<vmem>>
    %dma_wait3A_127 = arith.constant 0 : i32
    %dma_wait3A_128 = arith.constant 0 : i32
    %dma_wait3A_129 = tpu.memref_slice %arg9[%dma_wait3A_127, %dma_wait3A_128] : memref<10112x128xf32, #tpu.memory_space<vmem_shared>> -> memref<10112x128xf32, #tpu.memory_space<vmem_shared>>
    %dma_wait3A_130 = tpu.memref_slice %arg11[%dma_wait3A_119] : memref<3x!tpu.dma_semaphore, #tpu.memory_space<semaphore_mem>> -> memref<1x!tpu.dma_semaphore, #tpu.memory_space<semaphore_mem>>
    %dma_wait3A_131 = tpu.memref_squeeze %dma_wait3A_130 : memref<1x!tpu.dma_semaphore, #tpu.memory_space<semaphore_mem>> -> memref<!tpu.dma_semaphore, #tpu.memory_space<semaphore_mem>>
    tpu.wait_indirect_dma semaphore(%dma_wait3A_131 : memref<!tpu.dma_semaphore, #tpu.memory_space<semaphore_mem>>) src(%dma_wait3A_123 : memref<80x128xf32, #tpu.memory_space<vmem>>) dst(%dma_wait3A_129 : memref<10112x128xf32, #tpu.memory_space<vmem_shared>>)
    %barrier3A_132 = arith.constant 0 : index
    tpu.barrier barrier_id(%barrier3A_132)
    "tpu.region"() ({
      %run_scoped3A_133 = tpu.sem_alloc : memref<!tpu.dma_semaphore, #tpu.memory_space<semaphore_mem>>
      %dma_start3A_134 = arith.constant 0 : i32
      %dma_start3A_135 = tpu.memref_slice %arg4[%arg0, %mul3A_69, %dma_start3A_134] : memref<2x10112x128xf32, #tpu.memory_space<hbm>> -> memref<1x632x128xf32, #tpu.memory_space<hbm>>
      %dma_start3A_136 = tpu.memref_squeeze %dma_start3A_135 : memref<1x632x128xf32, #tpu.memory_space<hbm>> -> memref<632x128xf32, #tpu.memory_space<hbm>>
      %dma_start3A_137 = arith.constant 0 : i32
      %dma_start3A_138 = tpu.memref_slice %arg9[%mul3A_69, %dma_start3A_137] : memref<10112x128xf32, #tpu.memory_space<vmem_shared>> -> memref<632x128xf32, #tpu.memory_space<vmem_shared>>
      tpu.enqueue_dma source(%dma_start3A_138 : memref<632x128xf32, #tpu.memory_space<vmem_shared>>) target(%dma_start3A_136 : memref<632x128xf32, #tpu.memory_space<hbm>>) target_semaphore(%run_scoped3A_133 : memref<!tpu.dma_semaphore, #tpu.memory_space<semaphore_mem>>)
      %dma_wait3A_139 = arith.constant 0 : i32
      %dma_wait3A_140 = tpu.memref_slice %arg4[%arg0, %mul3A_69, %dma_wait3A_139] : memref<2x10112x128xf32, #tpu.memory_space<hbm>> -> memref<1x632x128xf32, #tpu.memory_space<hbm>>
      %dma_wait3A_141 = tpu.memref_squeeze %dma_wait3A_140 : memref<1x632x128xf32, #tpu.memory_space<hbm>> -> memref<632x128xf32, #tpu.memory_space<hbm>>
      %dma_wait3A_142 = arith.constant 0 : i32
      %dma_wait3A_143 = tpu.memref_slice %arg9[%mul3A_69, %dma_wait3A_142] : memref<10112x128xf32, #tpu.memory_space<vmem_shared>> -> memref<632x128xf32, #tpu.memory_space<vmem_shared>>
      tpu.wait_dma2 semaphore(%run_scoped3A_133 : memref<!tpu.dma_semaphore, #tpu.memory_space<semaphore_mem>>) src(%dma_wait3A_143 : memref<632x128xf32, #tpu.memory_space<vmem_shared>>) dst(%dma_wait3A_141 : memref<632x128xf32, #tpu.memory_space<hbm>>)
      tpu.yield
    }) : () -> ()
    return
  }
}

module attributes {stable_mosaic.version = 14 : i64} {
  func.func @_fin_body(%arg0: memref<10000x128xf32, #tpu.memory_space<vmem>>, %arg1: memref<2x10112x128xf32, #tpu.memory_space<vmem>>, %arg2: memref<8x128xf32, #tpu.memory_space<vmem>>, %arg3: memref<128x128xf32, #tpu.memory_space<vmem>>, %arg4: memref<128x128xf32, #tpu.memory_space<vmem>>, %arg5: memref<1x128xf32, #tpu.memory_space<vmem>>, %arg6: memref<128x2xf32, #tpu.memory_space<vmem>>, %arg7: memref<2x1xf32, #tpu.memory_space<vmem>>, %arg8: memref<2x10000xf32, #tpu.memory_space<vmem>>) attributes {dimension_semantics = [], scalar_prefetch = 0 : i64, scratch_operands = 0 : i64, tpu.core_type = #tpu.core_type<tc>} {
    %get3A = arith.constant 0 : index
    %get3A_0 = arith.constant 0 : index
    %get3A_1 = arith.constant 0 : index
    %get3A_2 = vector.load %arg1[%get3A, %get3A_0, %get3A_1] : memref<2x10112x128xf32, #tpu.memory_space<vmem>>, vector<1x10000x128xf32>
    %get3A_3 = vector.shape_cast %get3A_2 : vector<1x10000x128xf32> to vector<10000x128xf32>
    %get3A_4 = arith.constant 1 : index
    %get3A_5 = arith.constant 0 : index
    %get3A_6 = arith.constant 0 : index
    %get3A_7 = vector.load %arg1[%get3A_4, %get3A_5, %get3A_6] : memref<2x10112x128xf32, #tpu.memory_space<vmem>>, vector<1x10000x128xf32>
    %get3A_8 = vector.shape_cast %get3A_7 : vector<1x10000x128xf32> to vector<10000x128xf32>
    %add3A = arith.addf %get3A_3, %get3A_8 : vector<10000x128xf32>
    %get3A_9 = arith.constant 0 : index
    %get3A_10 = arith.constant 0 : index
    %get3A_11 = vector.load %arg3[%get3A_9, %get3A_10] : memref<128x128xf32, #tpu.memory_space<vmem>>, vector<128x128xf32>
    %dot_general3A = arith.constant dense<0.000000e+00> : vector<10000x128xf32>
    %dot_general3A_12 = tpu.matmul %add3A, %get3A_11, %dot_general3A {dimension_numbers = #tpu.dot_dimension_numbers<[1], [0], [0], [1], [0, 0, 1, 1], [], []>, transpose_lhs_hint = false} : vector<10000x128xf32>, vector<128x128xf32>, vector<10000x128xf32> -> vector<10000x128xf32>
    %get3A_13 = arith.constant 0 : index
    %get3A_14 = arith.constant 0 : index
    %get3A_15 = vector.load %arg2[%get3A_13, %get3A_14] : memref<8x128xf32, #tpu.memory_space<vmem>>, vector<1x128xf32>
    %get3A_16 = arith.constant 0 : index
    %get3A_17 = arith.constant 0 : index
    %get3A_18 = vector.load %arg4[%get3A_16, %get3A_17] : memref<128x128xf32, #tpu.memory_space<vmem>>, vector<128x128xf32>
    %dot_general3A_19 = arith.constant dense<0.000000e+00> : vector<1x128xf32>
    %dot_general3A_20 = tpu.matmul %get3A_15, %get3A_18, %dot_general3A_19 {dimension_numbers = #tpu.dot_dimension_numbers<[1], [0], [0], [1], [0, 0, 1, 1], [], []>, transpose_lhs_hint = false} : vector<1x128xf32>, vector<128x128xf32>, vector<1x128xf32> -> vector<1x128xf32>
    %get3A_21 = arith.constant 0 : index
    %get3A_22 = arith.constant 0 : index
    %get3A_23 = vector.load %arg0[%get3A_21, %get3A_22] : memref<10000x128xf32, #tpu.memory_space<vmem>>, vector<10000x128xf32>
    %add3A_24 = arith.addf %get3A_23, %dot_general3A_12 : vector<10000x128xf32>
    %add3A_25 = vector.broadcast %dot_general3A_20 : vector<1x128xf32> to vector<10000x128xf32>
    %add3A_26 = arith.addf %add3A_24, %add3A_25 : vector<10000x128xf32>
    %get3A_27 = arith.constant 0 : index
    %get3A_28 = arith.constant 0 : index
    %get3A_29 = vector.load %arg5[%get3A_27, %get3A_28] : memref<1x128xf32, #tpu.memory_space<vmem>>, vector<1x128xf32>
    %add3A_30 = vector.broadcast %get3A_29 : vector<1x128xf32> to vector<10000x128xf32>
    %add3A_31 = arith.addf %add3A_26, %add3A_30 : vector<10000x128xf32>
    %max3A = arith.constant 0.000000e+00 : f32
    %max3A_32 = vector.broadcast %max3A : f32 to vector<10000x128xf32>
    %max3A_33 = arith.maximumf %add3A_31, %max3A_32 : vector<10000x128xf32>
    %get3A_34 = arith.constant 0 : index
    %get3A_35 = arith.constant 0 : index
    %get3A_36 = vector.load %arg6[%get3A_34, %get3A_35] : memref<128x2xf32, #tpu.memory_space<vmem>>, vector<128x2xf32>
    %dot_general3A_37 = arith.constant dense<0.000000e+00> : vector<2x10000xf32>
    %dot_general3A_38 = tpu.matmul %get3A_36, %max3A_33, %dot_general3A_37 {dimension_numbers = #tpu.dot_dimension_numbers<[0], [1], [1], [0], [0, 1, 1, 0], [], []>, transpose_lhs_hint = false} : vector<128x2xf32>, vector<10000x128xf32>, vector<2x10000xf32> -> vector<2x10000xf32>
    %get3A_39 = arith.constant 0 : index
    %get3A_40 = arith.constant 0 : index
    %get3A_41 = vector.load %arg7[%get3A_39, %get3A_40] : memref<2x1xf32, #tpu.memory_space<vmem>>, vector<2x1xf32>
    %add3A_42 = vector.broadcast %get3A_41 : vector<2x1xf32> to vector<2x10000xf32>
    %add3A_43 = arith.addf %dot_general3A_38, %add3A_42 : vector<2x10000xf32>
    %neg3A = arith.constant 0.000000e+00 : f32
    %neg3A_44 = vector.broadcast %neg3A : f32 to vector<2x10000xf32>
    %neg3A_45 = arith.subf %neg3A_44, %add3A_43 : vector<2x10000xf32>
    %exp3A = math.exp %neg3A_45 : vector<2x10000xf32>
    %add3A_46 = arith.constant 1.000000e+00 : f32
    %add3A_47 = vector.broadcast %add3A_46 : f32 to vector<2x10000xf32>
    %add3A_48 = arith.addf %add3A_47, %exp3A : vector<2x10000xf32>
    %div3A = arith.constant 1.000000e+00 : f32
    %div3A_49 = vector.broadcast %div3A : f32 to vector<2x10000xf32>
    %div3A_50 = arith.divf %div3A_49, %add3A_48 : vector<2x10000xf32>
    %swap3A = arith.constant 0 : index
    %swap3A_51 = arith.constant 0 : index
    %swap3A_52 = vector.load %arg8[%swap3A, %swap3A_51] : memref<2x10000xf32, #tpu.memory_space<vmem>>, vector<2x10000xf32>
    tpu.vector_store %arg8[%swap3A, %swap3A_51], %div3A_50 {strides = array<i32>} : memref<2x10000xf32, #tpu.memory_space<vmem>>, vector<2x10000xf32>,
    return
  }
}

module attributes {stable_mosaic.version = 14 : i64} {
  func.func @_comb_body(%arg0: i32, %arg1: memref<5000x128xf32, #tpu.memory_space<vmem>>, %arg2: memref<1x5000x128xf32, #tpu.memory_space<vmem>>, %arg3: memref<1x5000x128xf32, #tpu.memory_space<vmem>>, %arg4: memref<8x128xf32, #tpu.memory_space<vmem>>, %arg5: memref<128x128xf32, #tpu.memory_space<vmem>>, %arg6: memref<128x128xf32, #tpu.memory_space<vmem>>, %arg7: memref<1x128xf32, #tpu.memory_space<vmem>>, %arg8: memref<5000x128xf32, #tpu.memory_space<vmem>>) attributes {dimension_semantics = [#tpu.dimension_semantics<arbitrary>], iteration_bounds = array<i64: 2>, scalar_prefetch = 0 : i64, scratch_operands = 0 : i64, tpu.core_type = #tpu.core_type<tc>, window_params = [{transform_indices = @transform_0, window_bounds = array<i64: 5000, 128>}, {transform_indices = @transform_1, window_bounds = array<i64: 1, 5000, 128>}, {transform_indices = @transform_2, window_bounds = array<i64: 1, 5000, 128>}, {pipeline_mode = #tpu.pipeline_mode<synchronous>, transform_indices = @transform_3, window_bounds = array<i64: 8, 128>}, {pipeline_mode = #tpu.pipeline_mode<synchronous>, transform_indices = @transform_4, window_bounds = array<i64: 128, 128>}, {pipeline_mode = #tpu.pipeline_mode<synchronous>, transform_indices = @transform_5, window_bounds = array<i64: 128, 128>}, {pipeline_mode = #tpu.pipeline_mode<synchronous>, transform_indices = @transform_6, window_bounds = array<i64: 1, 128>}, {transform_indices = @transform_7, window_bounds = array<i64: 5000, 128>}]} {
    %get3A = arith.constant 0 : index
    %get3A_0 = arith.constant 0 : index
    %get3A_1 = arith.constant 0 : index
    %get3A_2 = vector.load %arg2[%get3A, %get3A_0, %get3A_1] : memref<1x5000x128xf32, #tpu.memory_space<vmem>>, vector<1x5000x128xf32>
    %get3A_3 = vector.shape_cast %get3A_2 : vector<1x5000x128xf32> to vector<5000x128xf32>
    %get3A_4 = arith.constant 0 : index
    %get3A_5 = arith.constant 0 : index
    %get3A_6 = arith.constant 0 : index
    %get3A_7 = vector.load %arg3[%get3A_4, %get3A_5, %get3A_6] : memref<1x5000x128xf32, #tpu.memory_space<vmem>>, vector<1x5000x128xf32>
    %get3A_8 = vector.shape_cast %get3A_7 : vector<1x5000x128xf32> to vector<5000x128xf32>
    %add3A = arith.addf %get3A_3, %get3A_8 : vector<5000x128xf32>
    %get3A_9 = arith.constant 0 : index
    %get3A_10 = arith.constant 0 : index
    %get3A_11 = vector.load %arg5[%get3A_9, %get3A_10] : memref<128x128xf32, #tpu.memory_space<vmem>>, vector<128x128xf32>
    %dot_general3A = arith.constant dense<0.000000e+00> : vector<5000x128xf32>
    %dot_general3A_12 = tpu.matmul %add3A, %get3A_11, %dot_general3A {dimension_numbers = #tpu.dot_dimension_numbers<[1], [0], [0], [1], [0, 0, 1, 1], [], []>, transpose_lhs_hint = false} : vector<5000x128xf32>, vector<128x128xf32>, vector<5000x128xf32> -> vector<5000x128xf32>
    %get3A_13 = arith.constant 0 : index
    %get3A_14 = arith.constant 0 : index
    %get3A_15 = vector.load %arg4[%get3A_13, %get3A_14] : memref<8x128xf32, #tpu.memory_space<vmem>>, vector<1x128xf32>
    %get3A_16 = arith.constant 0 : index
    %get3A_17 = arith.constant 0 : index
    %get3A_18 = vector.load %arg6[%get3A_16, %get3A_17] : memref<128x128xf32, #tpu.memory_space<vmem>>, vector<128x128xf32>
    %dot_general3A_19 = arith.constant dense<0.000000e+00> : vector<1x128xf32>
    %dot_general3A_20 = tpu.matmul %get3A_15, %get3A_18, %dot_general3A_19 {dimension_numbers = #tpu.dot_dimension_numbers<[1], [0], [0], [1], [0, 0, 1, 1], [], []>, transpose_lhs_hint = false} : vector<1x128xf32>, vector<128x128xf32>, vector<1x128xf32> -> vector<1x128xf32>
    %get3A_21 = arith.constant 0 : index
    %get3A_22 = arith.constant 0 : index
    %get3A_23 = vector.load %arg1[%get3A_21, %get3A_22] : memref<5000x128xf32, #tpu.memory_space<vmem>>, vector<5000x128xf32>
    %add3A_24 = arith.addf %get3A_23, %dot_general3A_12 : vector<5000x128xf32>
    %add3A_25 = vector.broadcast %dot_general3A_20 : vector<1x128xf32> to vector<5000x128xf32>
    %add3A_26 = arith.addf %add3A_24, %add3A_25 : vector<5000x128xf32>
    %get3A_27 = arith.constant 0 : index
    %get3A_28 = arith.constant 0 : index
    %get3A_29 = vector.load %arg7[%get3A_27, %get3A_28] : memref<1x128xf32, #tpu.memory_space<vmem>>, vector<1x128xf32>
    %add3A_30 = vector.broadcast %get3A_29 : vector<1x128xf32> to vector<5000x128xf32>
    %add3A_31 = arith.addf %add3A_26, %add3A_30 : vector<5000x128xf32>
    %max3A = arith.constant 0.000000e+00 : f32
    %max3A_32 = vector.broadcast %max3A : f32 to vector<5000x128xf32>
    %max3A_33 = arith.maximumf %add3A_31, %max3A_32 : vector<5000x128xf32>
    %swap3A = arith.constant 0 : index
    %swap3A_34 = arith.constant 0 : index
    %swap3A_35 = vector.load %arg8[%swap3A, %swap3A_34] : memref<5000x128xf32, #tpu.memory_space<vmem>>, vector<5000x128xf32>
    tpu.vector_store %arg8[%swap3A, %swap3A_34], %max3A_33 {strides = array<i32>} : memref<5000x128xf32, #tpu.memory_space<vmem>>, vector<5000x128xf32>,
    return
  }
  func.func @transform_0(%arg0: i32) -> (i32, i32) {
    %c0_i32 = arith.constant 0 : i32
    %c0_i32_0 = arith.constant 0 : i32
    return %arg0, %c0_i32 : i32, i32
  }
  func.func @transform_1(%arg0: i32) -> (i32, i32, i32) {
    %c0_i32 = arith.constant 0 : i32
    %c0_i32_0 = arith.constant 0 : i32
    %c0_i32_1 = arith.constant 0 : i32
    return %c0_i32, %arg0, %c0_i32_0 : i32, i32, i32
  }
  func.func @transform_2(%arg0: i32) -> (i32, i32, i32) {
    %c1_i32 = arith.constant 1 : i32
    %c0_i32 = arith.constant 0 : i32
    %c0_i32_0 = arith.constant 0 : i32
    return %c1_i32, %arg0, %c0_i32 : i32, i32, i32
  }
  func.func @transform_3(%arg0: i32) -> (i32, i32) {
    %c0_i32 = arith.constant 0 : i32
    %c0_i32_0 = arith.constant 0 : i32
    %c0_i32_1 = arith.constant 0 : i32
    return %c0_i32, %c0_i32_0 : i32, i32
  }
  func.func @transform_4(%arg0: i32) -> (i32, i32) {
    %c0_i32 = arith.constant 0 : i32
    %c0_i32_0 = arith.constant 0 : i32
    %c0_i32_1 = arith.constant 0 : i32
    return %c0_i32, %c0_i32_0 : i32, i32
  }
  func.func @transform_5(%arg0: i32) -> (i32, i32) {
    %c0_i32 = arith.constant 0 : i32
    %c0_i32_0 = arith.constant 0 : i32
    %c0_i32_1 = arith.constant 0 : i32
    return %c0_i32, %c0_i32_0 : i32, i32
  }
  func.func @transform_6(%arg0: i32) -> (i32, i32) {
    %c0_i32 = arith.constant 0 : i32
    %c0_i32_0 = arith.constant 0 : i32
    %c0_i32_1 = arith.constant 0 : i32
    return %c0_i32, %c0_i32_0 : i32, i32
  }
  func.func @transform_7(%arg0: i32) -> (i32, i32) {
    %c0_i32 = arith.constant 0 : i32
    %c0_i32_0 = arith.constant 0 : i32
    return %arg0, %c0_i32 : i32, i32
  }
}

module attributes {stable_mosaic.version = 14 : i64} {
  func.func @_proj_body(%arg0: i32, %arg1: memref<5000x128xf32, #tpu.memory_space<vmem>>, %arg2: memref<128x128xf32, #tpu.memory_space<vmem>>, %arg3: memref<5000x128xf32, #tpu.memory_space<vmem>>, %arg4: memref<8x128xf32, #tpu.memory_space<vmem>>) attributes {dimension_semantics = [#tpu.dimension_semantics<arbitrary>], iteration_bounds = array<i64: 2>, scalar_prefetch = 0 : i64, scratch_operands = 0 : i64, tpu.core_type = #tpu.core_type<tc>, window_params = [{transform_indices = @transform_0, window_bounds = array<i64: 5000, 128>}, {pipeline_mode = #tpu.pipeline_mode<synchronous>, transform_indices = @transform_1, window_bounds = array<i64: 128, 128>}, {transform_indices = @transform_2, window_bounds = array<i64: 5000, 128>}, {pipeline_mode = #tpu.pipeline_mode<synchronous>, transform_indices = @transform_3, window_bounds = array<i64: 8, 128>}]} {
    %get3A = arith.constant 0 : index
    %get3A_0 = arith.constant 0 : index
    %get3A_1 = vector.load %arg1[%get3A, %get3A_0] : memref<5000x128xf32, #tpu.memory_space<vmem>>, vector<5000x128xf32>
    %get3A_2 = arith.constant 0 : index
    %get3A_3 = arith.constant 0 : index
    %get3A_4 = vector.load %arg2[%get3A_2, %get3A_3] : memref<128x128xf32, #tpu.memory_space<vmem>>, vector<128x128xf32>
    %dot_general3A = arith.constant dense<0.000000e+00> : vector<5000x128xf32>
    %dot_general3A_5 = tpu.matmul %get3A_1, %get3A_4, %dot_general3A {dimension_numbers = #tpu.dot_dimension_numbers<[1], [0], [0], [1], [0, 0, 1, 1], [], []>, transpose_lhs_hint = false} : vector<5000x128xf32>, vector<128x128xf32>, vector<5000x128xf32> -> vector<5000x128xf32>
    %swap3A = arith.constant 0 : index
    %swap3A_6 = arith.constant 0 : index
    %swap3A_7 = vector.load %arg3[%swap3A, %swap3A_6] : memref<5000x128xf32, #tpu.memory_space<vmem>>, vector<5000x128xf32>
    tpu.vector_store %arg3[%swap3A, %swap3A_6], %dot_general3A_5 {strides = array<i32>} : memref<5000x128xf32, #tpu.memory_space<vmem>>, vector<5000x128xf32>,
    %reduce_sum3A = arith.constant dense<0.000000e+00> : vector<128xf32>
    %reduce_sum3A_8 = vector.multi_reduction <add>, %get3A_1, %reduce_sum3A [0] : vector<5000x128xf32> to vector<128xf32>
    %broadcast_in_dim3A = vector.shape_cast %reduce_sum3A_8 : vector<128xf32> to vector<1x128xf32>
    %broadcast_in_dim3A_9 = vector.shape_cast %broadcast_in_dim3A : vector<1x128xf32> to vector<1x128xf32>
    %broadcast_in_dim3A_10 = vector.broadcast %broadcast_in_dim3A_9 : vector<1x128xf32> to vector<8x128xf32>
    %eq3A = arith.constant 0 : i32
    %eq3A_11 = arith.cmpi eq, %arg0, %eq3A : i32
    %convert_element_type3A = arith.extui %eq3A_11 : i1 to i32
    %cond3A = arith.constant 0 : i32
    %cond3A_12 = arith.cmpi ne, %convert_element_type3A, %cond3A : i32
    scf.if %cond3A_12 {
      %broadcast_in_dim3A_19 = arith.constant 0.000000e+00 : f32
      %broadcast_in_dim3A_20 = vector.broadcast %broadcast_in_dim3A_19 : f32 to vector<8x128xf32>
      %swap3A_21 = arith.constant 0 : index
      %swap3A_22 = arith.constant 0 : index
      %swap3A_23 = vector.load %arg4[%swap3A_21, %swap3A_22] : memref<8x128xf32, #tpu.memory_space<vmem>>, vector<8x128xf32>
      tpu.vector_store %arg4[%swap3A_21, %swap3A_22], %broadcast_in_dim3A_20 {strides = array<i32>} : memref<8x128xf32, #tpu.memory_space<vmem>>, vector<8x128xf32>,
    } else {
    }
    %get3A_13 = arith.constant 0 : index
    %get3A_14 = arith.constant 0 : index
    %get3A_15 = vector.load %arg4[%get3A_13, %get3A_14] : memref<8x128xf32, #tpu.memory_space<vmem>>, vector<8x128xf32>
    %add3A = arith.addf %get3A_15, %broadcast_in_dim3A_10 : vector<8x128xf32>
    %swap3A_16 = arith.constant 0 : index
    %swap3A_17 = arith.constant 0 : index
    %swap3A_18 = vector.load %arg4[%swap3A_16, %swap3A_17] : memref<8x128xf32, #tpu.memory_space<vmem>>, vector<8x128xf32>
    tpu.vector_store %arg4[%swap3A_16, %swap3A_17], %add3A {strides = array<i32>} : memref<8x128xf32, #tpu.memory_space<vmem>>, vector<8x128xf32>,
    return
  }
  func.func @transform_0(%arg0: i32) -> (i32, i32) {
    %c0_i32 = arith.constant 0 : i32
    %c0_i32_0 = arith.constant 0 : i32
    return %arg0, %c0_i32 : i32, i32
  }
  func.func @transform_1(%arg0: i32) -> (i32, i32) {
    %c0_i32 = arith.constant 0 : i32
    %c0_i32_0 = arith.constant 0 : i32
    %c0_i32_1 = arith.constant 0 : i32
    return %c0_i32, %c0_i32_0 : i32, i32
  }
  func.func @transform_2(%arg0: i32) -> (i32, i32) {
    %c0_i32 = arith.constant 0 : i32
    %c0_i32_0 = arith.constant 0 : i32
    return %arg0, %c0_i32 : i32, i32
  }
  func.func @transform_3(%arg0: i32) -> (i32, i32) {
    %c0_i32 = arith.constant 0 : i32
    %c0_i32_0 = arith.constant 0 : i32
    %c0_i32_1 = arith.constant 0 : i32
    return %c0_i32, %c0_i32_0 : i32, i32
  }
}

</mosaic_0001>

<sc_bundles>
// kernel: kernel.11.cloned.1.call-start
scs
__scs_entry_jumppad:
0x0: {  	(pc) =	sbr.rel $0x88, $3  }
0x1: {  	(tag) =	ssettag $0x0;
	lr =	simm.s32 $0x1  }
0x2: {  	[smem:$0x3F95] =	sst lr;
	_ =	strace $0xD0000000  }
0x3: {  	_ = 	snop  }
0x4: {  	_ = 	snop  }
0x5: {  	_ = 	snop  }
0x6: {  	_ = 	snop  }
0x7: {  	_ = 	snop  }
__scs_overlays_trampoline_lowered:
0x8: {  	[smem:$0x3FA4] =	sst s0  }
0x9: {  	[smem:$0x3FA5] =	sst s1  }
0xa: {  	[smem:$0x3FA6] =	sst s2  }
0xb: {  	[smem:$0x3FA7] =	sst s3  }
0xc: {  	[smem:$0x3FA8] =	sst s4  }
0xd: {  	[smem:$0x3FA9] =	sst s5  }
0xe: {  	[smem:$0x3FAA] =	sst s6  }
0xf: {  	[smem:$0x3FAB] =	sst s7  }
0x10: {  	[smem:$0x3FAC] =	sst s8  }
0x11: {  	[smem:$0x3FAD] =	sst s9;
	s0 =	simm.s32 @!p0 $0x0  }
0x12: {  	s1 =	sld [smem:$0x3F93];
	s0 =	simm.s32 @p0 $0x1  }
0x13: {  	[smem:$0x3FAE] =	sst s0;
	s0 =	simm.s32 @!p1 $0x0  }
0x14: {  	s2 =	sld [smem:$0x3F92];
	s0 =	simm.s32 @p1 $0x1  }
0x15: {  	[smem:$0x3FAF] =	sst s0;
	s0 =	simm.s32 @!p2 $0x0  }
0x16: {  	s3 =	sld [smem:$0x3FDB];
	s0 =	simm.s32 @p2 $0x1  }
0x17: {  	s4 =	simm.s32 $0x1BF5;
	[smem:$0x3FB1] =	sst s0  }
0x18: {  	s0 =	sld [smem:$0x3F94];
	_ =	swait.ge [sflag:s4], $0x0  }
0x19: {  	s7 =	sld [smem:$0x3F95]  }
0x1a: {  	s8 =	sadd.s32 $0xFFFFE003, lr  }
0x1b: {  	s9 =	sadd.s32 $0xFFFFFEF7, lr;
	s5 =	simm.s32 $0xFFFFFFFF;
	p2 =	slt.u32 s8, $0xFFFFF086  }
0x1c: {  	p1 =	slt.u32 s9, $0xF7A;
	s5 =	simm.s32 @!p2 $0x0  }
0x1d: {  	s5 =	simm.s32 @p1 $0x1;
	p0 =	seq.s32 s7, s2  }
0x1e: {  	s7 =	smul.u32 @!p0 $0xF7A, s2;
	p2 =	seq.s32 @!p0 s5, $0x0  }
0x1f: {  	s9 =	smul.u32 $0xF7A, s1;
	s8 =	simm.s32 @!p0 $0x1BF5;
	p2 =	por !p2, p0  }
0x20: {  	[sflag:s8] =	ssyncset.s32 @!p0 $0xFFFFF086;
	s6 =	sadd.s32 @!p0 s3, s7;
	s7 =	simm.s32 @!p0 $0x108  }
0x21: {  	s3 =	sadd.s32 s3, s9;
	s6 =	sadd.s32 @!p0 $0x88, s6;
	s7 =	simm.s32 @p2 $0x1082  }
0x22: {  	[simem:s7], [sflag:s8] =	dma.local @!p0 [hbm:s6], $0xF7A  }
0x23: {  	s9 =	sor.u32 $0xD0000000, s2;
	s6 =	simm.s32 $0x108;
	_ =	swait.ge @!p0 [sflag:s8], $0x0  }
0x24: {  	s3 =	sadd.s32 $0x88, s3;
	s6 =	simm.s32 @!p1 $0x1082;
	[sflag:s4] =	ssyncset.s32 $0xFFFFF086  }
0x25: {  	[simem:s6], [sflag:s4] =	dma.local [hbm:s3], $0xF7A  }
0x26: {  	[smem:$0x3F95] =	sst s1;
	(tag) =	ssettag s2;
	_ =	strace s9  }
0x27: {  	s1 =	sld [smem:$0x3FA5]  }
0x28: {  	s2 =	sld [smem:$0x3FA6]  }
0x29: {  	s4 =	sld [smem:$0x3FA8]  }
0x2a: {  	p0 =	seq.s32 s5, $0x0;
	s5 =	sld [smem:$0x3FA9]  }
0x2b: {  	s6 =	sld [smem:$0x3FAA]  }
0x2c: {  	s7 =	sld [smem:$0x3FAB]  }
0x2d: {  	s3 =	simm.s32 $0x108;
	s8 =	sld [smem:$0x3FAC]  }
0x2e: {  	s3 =	simm.s32 @!p0 $0x1082;
	s9 =	sld [smem:$0x3FAD]  }
0x2f: {  	lr =	sadd.s32 s0, s3;
	s0 =	sld [smem:$0x3FA4]  }
0x30: {  	s3 =	sld [smem:$0x3FA7]  }
0x31: {  	[smem:$0x3FB0] =	sst s10  }
0x32: {  	s10 =	sld [smem:$0x3FAE];
	_ =	sdelay $0x3  }
0x33: {  	p0 =	seq.s32 s10, $0x1;
	s10 =	sld [smem:$0x3FB0];
	_ =	sdelay $0x3  }
0x34: {  	[smem:$0x3FB0] =	sst s10  }
0x35: {  	s10 =	sld [smem:$0x3FAF];
	_ =	sdelay $0x3  }
0x36: {  	p1 =	seq.s32 s10, $0x1;
	s10 =	sld [smem:$0x3FB0];
	_ =	sdelay $0x3  }
0x37: {  	[smem:$0x3FB0] =	sst s10  }
0x38: {  	s10 =	sld [smem:$0x3FB1]  }
0x39: {  	_ = 	snop;
	(pc) =	sbr.ind lr, $3  }
0x3a: {  	_ = 	snop  }
0x3b: {  	_ = 	snop  }
0x3c: {  	p2 =	seq.s32 s10, $0x1;
	s10 =	sld [smem:$0x3FB0]  }
0x3d: {  	_ =	shalt  }
0x3e: {  	_ =	shalt  }
0x3f: {  	_ =	shalt  }
0x40: {  	_ =	shalt  }
0x41: {  	_ =	shalt  }
0x42: {  	_ =	shalt  }
0x43: {  	_ =	shalt  }
0x44: {  	_ =	shalt  }
0x45: {  	_ =	shalt  }
0x46: {  	_ =	shalt  }
0x47: {  	_ =	shalt  }
0x48: {  	_ =	shalt  }
0x49: {  	_ =	shalt  }
0x4a: {  	_ =	shalt  }
0x4b: {  	_ =	shalt  }
0x4c: {  	_ =	shalt  }
0x4d: {  	_ =	shalt  }
0x4e: {  	_ =	shalt  }
0x4f: {  	_ =	shalt  }
0x50: {  	_ =	shalt  }
0x51: {  	_ =	shalt  }
0x52: {  	_ =	shalt  }
0x53: {  	_ =	shalt  }
0x54: {  	_ =	shalt  }
0x55: {  	_ =	shalt  }
0x56: {  	_ =	shalt  }
0x57: {  	_ =	shalt  }
0x58: {  	_ =	shalt  }
0x59: {  	_ =	shalt  }
0x5a: {  	_ =	shalt  }
0x5b: {  	_ =	shalt  }
0x5c: {  	_ =	shalt  }
0x5d: {  	_ =	shalt  }
0x5e: {  	_ =	shalt  }
0x5f: {  	_ =	shalt  }
0x60: {  	_ =	shalt  }
0x61: {  	_ =	shalt  }
0x62: {  	_ =	shalt  }
0x63: {  	_ =	shalt  }
0x64: {  	_ =	shalt  }
0x65: {  	_ =	shalt  }
0x66: {  	_ =	shalt  }
0x67: {  	_ =	shalt  }
0x68: {  	_ =	shalt  }
0x69: {  	_ =	shalt  }
0x6a: {  	_ =	shalt  }
0x6b: {  	_ =	shalt  }
0x6c: {  	_ =	shalt  }
0x6d: {  	_ =	shalt  }
0x6e: {  	_ =	shalt  }
0x6f: {  	_ =	shalt  }
0x70: {  	_ =	shalt  }
0x71: {  	_ =	shalt  }
0x72: {  	_ =	shalt  }
0x73: {  	_ =	shalt  }
0x74: {  	_ =	shalt  }
0x75: {  	_ =	shalt  }
0x76: {  	_ =	shalt  }
0x77: {  	_ =	shalt  }
0x78: {  	_ =	shalt  }
0x79: {  	_ =	shalt  }
0x7a: {  	_ =	shalt  }
0x7b: {  	_ =	shalt  }
0x7c: {  	_ =	shalt  }
0x7d: {  	_ =	shalt  }
0x7e: {  	_ =	shalt  }
0x7f: {  	_ =	shalt  }
0x80: {  	_ =	shalt  }
0x81: {  	_ =	shalt  }
0x82: {  	_ =	shalt  }
0x83: {  	_ =	shalt  }
0x84: {  	_ =	shalt  }
0x85: {  	_ =	shalt  }
0x86: {  	_ =	shalt  }
0x87: {  	_ =	shalt  }
.Lfunc_end0:
.L_simem_size_0:
called_computation.1_lowered:
.L_overlay_start_0:
0x88: {  	s2 =	sld [smem:$0x3FD9]  }
0x89: {  	s3 =	sld [smem:$0x3FFE];
	_ =	sdelay $0x1  }
0x8a: {  	s1 =	srdreg.scid  }
0x8b: {  	s0 =	sand.u32 $0x1, s1  }
0x8c: {  	s16 =	sshll.u32 s0, $0xA;
	s2 =	sadd.s32 s3, s2  }
0x8d: {  	s2 =	sadd.s32 s2, s16  }
0x8e: {  	[smem:$0x3FBC] =	sst s2  }
0x8f: {  	_ = 	snop  }
0x90: {  	(tm) =	ssettm $0x1  }
0x91: {  	s17 =	sld [smem:$0x3FFB];
	_ =	sdelay $0x3  }
0x92: {  	_ =	strace s17  }
0x93: {  	s2 =	sld [smem:$0x3FFC];
	_ =	sdelay $0x3  }
0x94: {  	_ =	strace s2  }
0x95: {  	s2 =	sld [smem:$0x3FFD];
	_ =	sdelay $0x3  }
0x96: {  	_ =	strace s2  }
0x97: {  	_ =	strace $0x8FFFFFFF  }
0x98: {  	s18 =	sld [smem:$0x3FDB];
	_ =	sdelay $0x1  }
0x99: {  	s19 =	simm.s32 $_scs_section_size  }
0x9a: {  	s4 =	simm.s32 $_size__tile_overlayer_lowered;
	s5 =	simm.s32 $_tile_overlayer_lowered  }
0x9b: {  	s22 =	simm.s32 $0x1BFF;
	s21 =	sshll.u32 s5, $0x1;
	s2 =	sadd.s32 s19, s18  }
0x9c: {  	s6 =	simm.s32 $0x0;
	s20 =	sshll.u32 s4, $0x1;
	s4 =	sadd.s32 s21, s2  }
0x9d: {  	[timem:s6], [sflag:s22] =	dma.local [hbm:s4], s20  }
0x9e: {  	_ =	swait.ge [sflag:s22], s20  }
0x9f: {  	s3 =	ssub.s32 $0x0, s20;
	[sflag:s22] =	ssyncset.done $0x0  }
0xa0: {  	[sflag:s22] =	ssyncadd.s32 s3;
	_ =	sdelay $0x1  }
0xa1: {  	s23 =	simm.s32 $0x1B8B  }
0xa2: {  	_ =	swait.ge [sflag:s23], $0x1  }
0xa3: {  	[sflag:s23] =	ssyncset.done $0x0  }
0xa4: {  	s25 =	simm.s32 $0x1B8E;
	s24 =	sld [smem:$0x3FFE];
	[sflag:s23] =	ssyncadd.s32 $0xFFFFFFFF  }
0xa5: {  	s26 =	simm.s32 $execute0_lowered;
	[smem:$0x3FD2] =	sst s25  }
0xa6: {  	s4 =	sshll.u32 s26, $0x1;
	_ =	strace $0x80000049;
	[dreg:$0x1] =	wrdreg $0xFFFFFFFF  }
0xa7: {  	s28 =	simm.s32 $_size_execute0_lowered;
	s2 =	sadd.s32 s2, s4;
	[dreg:$0x0] =	wrdreg $0x0  }
0xa8: {  	s4 =	sshll.u32 s28, $0x1;
	[dreg:$0x2] =	wrdreg s2  }
0xa9: {  	[dreg:$0x3] =	wrdreg s4  }
0xaa: {  	[dreg:$0x4] =	wrdreg $0xC0  }
0xab: {  	_ =	task [dreg:s6], $0x5FFFF  }
0xac: {  	[dreg:$0x1] =	wrdreg $0xFFFFFFFF  }
0xad: {  	[dreg:$0x0] =	wrdreg $0x60  }
0xae: {  	[dreg:$0x2] =	wrdreg s24  }
0xaf: {  	[dreg:$0x3] =	wrdreg $0xBE000  }
0xb0: {  	[dreg:$0x4] =	wrdreg $0x9  }
0xb1: {  	_ =	task.clear_ibuf [dreg:s6], $0x5FFFF;
	_ =	strace $0x90000049  }
0xb2: {  	s29 =	simm.s32 $0x9;
	_ =	strace $0x8000004B  }
0xb3: {  	_ =	swait.ge [sflag:s29], $0x1  }
0xb4: {  	[sflag:s29] =	ssyncadd.s32 $0xFFFFFFFF  }
0xb5: {  	_ =	strace $0x9000004B  }
0xb6: {  	_ =	sfence  }
0xb7: {  	s30 =	sld [smem:$0x0];
	_ =	sdelay $0x2  }
0xb8: {  	s31 =	sshll.u32 s1, $0xD;
	s1 =	sshrl.u32 s1, $0x2  }
0xb9: {  	s3 =	sand.u32 $0x4000, s31;
	s1 =	sadd.s32 s1, s30  }
0xba: {  	s0 =	sor.u32 s3, s0;
	s1 =	sshll.u32 s1, $0x11  }
0xbb: {  	s0 =	sor.u32 s1, s0  }
0xbc: {  	s0 =	sadd.s32 $0x8F2B, s0  }
0xbd: {  	[sflag:s0] =	ssyncadd.remote.s32 $0x1  }
0xbe: {  	_ =	sfence.sel $0xFFFF  }
0xbf: {  	[dreg:$0x0] =	wrdreg $0xFFFFFFFF;
	(pc) =	sbr.abs _section_cstart, $3  }
0xc0: {  	[dreg:$0x1] =	wrdreg $0xFFFFFFFF  }
0xc1: {  	_ =	task.clear_ibuf [dreg:s6], $0x2FFFF;
	_ =	strace $0x9FFFFFFF  }
0xc2: {  	(tm) =	ssettm $0x7FFFFFFF  }
0xc3: {  	_ =	shalt  }
tec
execute0_lowered:
.L_overlay_start_1:
0x0: {  	(tag) =	ssettag $0x1  }
0x1: {  	s0 =	rddreg [dreg:$0x0]  }
0x2: {  	s1 =	rddreg [dreg:$0x1];
	s2 =	srdreg.scid;
	s3 =	simm.s32 $0x0  }
0x3: {  	s10 =	stileid.u32;
	s13 =	simm.s32 $0xB;
	s14 =	simm.s32 $0x80  }
0x4: {  	s15 =	simm.s32 $0x50;
	s16 =	simm.s32 $0x4200;
	s17 =	simm.s32 $0x6A00  }
0x5: {  	s18 =	simm.s32 $0x100;
	s19 =	simm.s32 $0xA;
	s20 =	simm.s32 $0xBA00  }
0x6: {  	s21 =	simm.s32 $0x5;
	s22 =	simm.s32 $0x4;
	s23 =	simm.s32 $0x6  }
0x7: {  	s24 =	simm.s32 $0x0;
	s2 =	sand.u32 $0x1, s2;
	s6 =	smul.u32 $0x13C00, s10  }
0x8: {  	[smem:$0x7FF] =	sst s3;
	s12 =	sadd.s32 $0x3000, s0;
	s8 =	smul.u32 $0x4F000, s10  }
0x9: {  	s5 =	smul.u32 $0x13C000, s2;
	s4 =	sshll.u32 s2, $0x4;
	_ =	strace $0x8000004A  }
0xa: {  	s9 =	ssub.s32 $0x2, s2;
	s2 =	smul.u32 $0x27100, s2;
	s7 =	sor.u32 s10, s4  }
0xb: {  	s4 =	sadd.s32 $0x16A00, s0;
	s30 =	sshrl.u32 s9, $0x1;
	s10 =	smul.u32 $0x2710, s10  }
0xc: {  	s8 =	sshrl.u32 s8, $0x2;
	s5 =	sadd.s32 s6, s5;
	s26 =	smul.u32 $0x2710, s7  }
0xd: {  	s11 =	ssub.s32 s9, s30;
	s8 =	sadd.s32 s8, s1;
	s28 =	sshrl.u32 s5, $0x3  }
.Ltmp0:
0xe: {  	s2 =	sadd.s32 s10, s2;
	s29 =	sshrl.u32 s26, $0x3;
	(pc) =	sbr.rel .LBB2_1-.Ltmp0, $4  }
0xf: {  	s0 =	sadd.s32 s28, s0;
	s10 =	sadd.s32 $0x4E200, s2;
	s2 =	sadd.s32 $0xF0, s2  }
0x10: {  	s5 =	sadd.s32 s12, s29;
	s9 =	sadd.s32 $0x3DC00, s0;
	s31 =	sshrl.u32 s10, $0x3  }
0x11: {  	s2 =	sshrl.u32 s2, $0x3;
	s10 =	smax.u32 s11, $0x1;
	s6 =	sadd.s32 $0xA, s5  }
0x12: {  	v0 =	vimm.f32 $0.0e+00;
	s7 =	sadd.s32 $0x14, s5;
	s11 =	sadd.s32 s31, s12;
	s12 =	sadd.s32 s2, s12  }
.LBB2_18:
0x13: {  	_ =	swait.ge [sflag:s21], $0x2800  }
0x14: {  	[sflag:s21] =	ssyncset.done $0x0  }
0x15: {  	[sflag:s21] =	ssyncadd.s32 $0xFFFFD800  }
0x16: {  	_ =	swait.ge [sflag:s22], $0x2800  }
0x17: {  	[sflag:s22] =	ssyncset.done $0x0  }
0x18: {  	[sflag:s22] =	ssyncadd.s32 $0xFFFFD800  }
0x19: {  	s0 =	stileid.u32;
	_ =	swait.ge [sflag:s23], $0x2800  }
0x1a: {  	s2 =	sshrl.u32 s8, $0x3;
	s24 =	sadd.s32 $0x1, s24;
	[sflag:s23] =	ssyncset.done $0x0  }
0x1b: {  	s0 =	sshll.u32 s0, $0x6;
	p0 =	sne.s32 s24, s10;
	[sflag:s23] =	ssyncadd.s32 $0xFFFFD800  }
.Ltmp1:
0x1c: {  	s0 =	sor.u32 $0x1C0B, s0;
	[bflag:$0x0] =	sbarrier.arrive $0xFFFF;
	(pc) =	sbr.rel @!p0 .LBB2_19-.Ltmp1, $4  }
0x1d: {  	[hbm:s9], [sflag:s0] =	dma.local [spmem:s2], $0x2780  }
0x1e: {  	_ =	swait.ge [sflag:s13], $0x2780  }
0x1f: {  	[sflag:s13] =	ssyncset.done $0x0  }
0x20: {  	[sflag:s13] =	ssyncadd.s32 $0xFFFFD880  }
.LBB2_1:
0x21: {  	[tilespmem:s3], [sflag:$0xB] =	stream.linear.gather [hbm4b:s5+s3], $0x50, $0x38;
	[tilespmem:$0x1FA00] =	vst v63  }
0x22: {  	_ =	swait.ge [sflag:s13], $0x50  }
0x23: {  	[sflag:s13] =	ssyncset.done $0x0  }
0x24: {  	[sflag:s13] =	ssyncadd.s32 $0xFFFFFFB0  }
0x25: {  	[tilespmem:s14], [sflag:$0xB] =	stream.linear.gather [hbm4b:s6+s3], $0x50, $0x38;
	[tilespmem:$0x1FA00] =	vst v63  }
0x26: {  	_ =	swait.ge [sflag:s13], $0x50  }
0x27: {  	[sflag:s13] =	ssyncset.done $0x0  }
0x28: {  	[sflag:s13] =	ssyncadd.s32 $0xFFFFFFB0  }
0x29: {  	[tilespmem:s16], [sflag:$0x1] =	stream.indirect.gather [hbm4b:s4+s15], $0x80, s3, s15, $0xb8;
	[tilespmem:$0x1FA00] =	vst v63  }
0x2a: {  	_ = 	snop  }
0x2b: {  	[tilespmem:s17], [sflag:$0x2] =	stream.indirect.gather [hbm4b:s4+s15], $0x80, s14, s15, $0xb8;
	[tilespmem:$0x1FA00] =	vst v63  }
0x2c: {  	s0 =	simm.s32 $0x200;
	s2 =	simm.s32 $0x0  }
0x2d: {  	[tilespmem:s18], [sflag:$0x9] =	stream.linear.gather [hbm4b:s7+s3], $0x50, $0x38;
	[tilespmem:$0x1FA00] =	vst v63  }
.LBB2_2:
0x2e: {  	p0 =	sne.s32 s2, $0x4D8  }
.Ltmp2:
0x2f: {  	_ = 	snop;
	(pc) =	sbr.rel @p0 .LBB2_2-.Ltmp2, $4  }
0x30: {  	_ = 	snop  }
0x31: {  	s25 =	sadd.s32 s2, s11  }
0x32: {  	[tilespmem:s0], [sflag:$0xA] =	stream.linear.gather [hbm4b:s25+s3], $0x50, $0x38;
	[tilespmem:$0x1FA00] =	vst v63  }
0x33: {  	s2 =	sadd.s32 $0xA, s2;
	s0 =	sadd.s32 $0x80, s0  }
0x34: {  	_ =	swait.ge [sflag:s19], $0x50  }
0x35: {  	s26 =	simm.s32 $0x7C;
	[sflag:s19] =	ssyncset.done $0x0  }
.LBB2_4:
0x36: {  	p0 =	sne.s32 s26, $0x1;
	s26 =	sadd.s32 $0xFFFFFFFF, s26;
	[sflag:s19] =	ssyncadd.s32 $0xFFFFFFB0  }
.Ltmp3:
0x37: {  	(pc) =	sbr.rel @p0 .LBB2_4-.Ltmp3, $3  }
0x38: {  	_ =	sdelay $0x1  }
0x39: {  	_ =	swait.ge [sflag:s19], $0x50  }
0x3a: {  	s25 =	simm.s32 $0x0;
	[sflag:s19] =	ssyncset.done $0x0  }
0x3b: {  	s0 =	sand.u32 $0xE00, s25  }
0x3c: {  	[sflag:s19] =	ssyncadd.s32 $0xFFFFFFB0;
	s2 =	sand.u32 $0x70, s25;
	s0 =	sshrl.u32 s0, $0x2  }
0x3d: {  	s26 =	simm.s32 $0x40;
	s28 =	simm.s32 $0x0;
	s0 =	sor.u32 s2, s0  }
.LBB2_6:
0x3e: {  	p0 =	sne.s32 s26, $0xFC0  }
0x3f: {  	[tilespmem:s0+$0xBA00] =	vst v0;
	s28 =	sadd.s32 $0x10, s28;
	s0 =	smov.u32 s26;
	s26 =	sadd.s32 $0x40, s26  }
.Ltmp4:
0x40: {  	(pc) =	sbr.rel @p0 .LBB2_6-.Ltmp4, $4  }
0x41: {  	_ = 	snop  }
0x42: {  	s0 =	sand.u32 $0xE00, s0  }
0x43: {  	s2 =	sand.u32 $0x70, s28;
	s0 =	sshrl.u32 s0, $0x2  }
0x44: {  	s0 =	sor.u32 s2, s0  }
0x45: {  	[tilespmem:s0+$0xBA00] =	vst v0  }
.LBB2_8:
0x46: {  	p0 =	sne.s32 s25, $0x4E000  }
.Ltmp5:
0x47: {  	_ = 	snop;
	(pc) =	sbr.rel @p0 .LBB2_8-.Ltmp5, $4  }
0x48: {  	_ = 	snop  }
0x49: {  	s0 =	sshra.s32 s25, $0x2  }
0x4a: {  	s25 =	sadd.s32 $0x1000, s25;
	s0 =	sadd.s32 s0, s8  }
0x4b: {  	[spmem:s0] =	stream.linear.scatter [tilespmem:s20], [sflag:$0xA], $0x400, $0x38;
	[tilespmem:$0x1FA00] =	vst v63  }
0x4c: {  	_ =	swait.ge [sflag:s19], $0x400  }
0x4d: {  	s25 =	simm.s32 $0x4E;
	[sflag:s19] =	ssyncset.done $0x0  }
.LBB2_10:
0x4e: {  	p0 =	sne.s32 s25, $0x1;
	s25 =	sadd.s32 $0xFFFFFFFF, s25;
	[sflag:s19] =	ssyncadd.s32 $0xFFFFFC00  }
.Ltmp6:
0x4f: {  	(pc) =	sbr.rel @p0 .LBB2_10-.Ltmp6, $3  }
0x50: {  	_ =	sdelay $0x1  }
0x51: {  	_ =	swait.ge [sflag:s19], $0x400  }
0x52: {  	[sflag:s19] =	ssyncset.done $0x0  }
.Ltmp7:
0x53: {  	(pc) =	sbr.rel .LBB2_12-.Ltmp7, $4  }
0x54: {  	_ = 	snop  }
0x55: {  	[sflag:s19] =	ssyncadd.s32 $0xFFFFFC00  }
0x56: {  	[bflag:$0x0] =	sbarrier.arrive $0xFFFF  }
0x57: {  	s25 =	simm.s32 $0x0;
	s26 =	simm.s32 $0x200;
	s28 =	smov.u32 s12  }
.LBB2_14:
0x58: {  	s2 =	sadd.s32 $0x4200, s2  }
0x59: {  	[tilespmem:s2], [sflag:s0] =	stream.indirect.gather [hbm4b:s4+s15], $0x80, s30, s15, $0xb8;
	[tilespmem:$0x1FA00] =	vst v63  }
.LBB2_16:
0x5a: {  	s0 =	sshll.u32 s29, $0x7;
	s2 =	sadd.s32 $0x7, s29  }
0x5b: {  	[tilespmem:s0], [sflag:s2] =	stream.linear.gather [hbm4b:s28+s3], $0x50, $0x38;
	[tilespmem:$0x1FA00] =	vst v63  }
.LBB2_17:
0x5c: {  	s25 =	sadd.s32 $0x1, s25  }
0x5d: {  	p0 =	sne.s32 s25, $0x7D  }
.Ltmp8:
0x5e: {  	_ = 	snop;
	(pc) =	sbr.rel @!p0 .LBB2_18-.Ltmp8, $2  }
0x5f: {  	_ =	sdelay $0x2  }
0x60: {  	s28 =	sadd.s32 $0xA, s28;
	s26 =	sadd.s32 $0x80, s26  }
.LBB2_12:
0x61: {  	s0 =	smul.u32 $0xAB, s25;
	_ =	sdelay $0x1  }
0x62: {  	s0 =	sshrl.u32 s0, $0x9  }
0x63: {  	s0 =	sand.u32 $0x7F, s0  }
0x64: {  	s0 =	smul.u32 $0x3, s0;
	_ =	sdelay $0x1  }
0x65: {  	s0 =	ssub.s32 s25, s0  }
0x66: {  	s29 =	sand.u32 $0xFF, s0  }
0x67: {  	p0 =	sgt.u32 s25, $0x7A;
	s0 =	smul.u32 $0xA000, s29  }
.Ltmp9:
0x68: {  	s2 =	sadd.s32 $0x1, s29;
	(pc) =	sbr.rel @p0 .LBB2_17-.Ltmp9, $4  }
0x69: {  	_ =	swait.ge [sflag:s2], $0x2800  }
0x6a: {  	s0 =	sshrl.u32 s0, $0x2;
	[sflag:s2] =	ssyncset.done $0x0  }
0x6b: {  	s31 =	sor.u32 $0x4, s29;
	s0 =	sadd.s32 $0x4200, s0;
	[sflag:s2] =	ssyncadd.s32 $0xFFFFD800  }
0x6c: {  	[spmem:s1] =	stream.indirect.scatter.add.f32 [tilespmem:s0], [sflag:s31], $0x80, s26, s15, $0xb8;
	[tilespmem:$0x1FA00] =	vst v63  }
0x6d: {  	s0 =	sadd.s32 $0x2, s25  }
0x6e: {  	s2 =	sand.u32 $0xFF, s0  }
0x6f: {  	s2 =	smul.u32 $0xAB, s2;
	_ =	sdelay $0x1  }
0x70: {  	s2 =	sshrl.u32 s2, $0x9  }
0x71: {  	s2 =	smul.u32 $0x3, s2;
	_ =	sdelay $0x1  }
0x72: {  	p0 =	sne.s32 s25, $0x0;
	s0 =	ssub.s32 s0, s2  }
.Ltmp10:
0x73: {  	s31 =	sand.u32 $0xFF, s0;
	(pc) =	sbr.rel @!p0 .LBB2_14-.Ltmp10, $4  }
0x74: {  	s0 =	sadd.s32 $0x7, s31  }
0x75: {  	s2 =	smul.u32 $0xA000, s31;
	_ =	swait.ge [sflag:s0], $0x50  }
0x76: {  	s30 =	sshll.u32 s31, $0x7;
	[sflag:s0] =	ssyncset.done $0x0  }
0x77: {  	s2 =	sshrl.u32 s2, $0x2;
	[sflag:s0] =	ssyncadd.s32 $0xFFFFFFB0;
	s0 =	sadd.s32 $0x1, s31  }
0x78: {  	p0 =	seq.s32 s25, $0x7A  }
.Ltmp11:
0x79: {  	s31 =	sadd.s32 $0x4, s31;
	(pc) =	sbr.rel @p0 .LBB2_17-.Ltmp11, $4  }
.Ltmp12:
0x7a: {  	_ =	swait.ge [sflag:s31], $0x2800;
	(pc) =	sbr.rel @!p0 .LBB2_16-.Ltmp12, $4  }
0x7b: {  	[sflag:s31] =	ssyncset.done $0x0  }
0x7c: {  	s2 =	sadd.s32 $0x4200, s2;
	[sflag:s31] =	ssyncadd.s32 $0xFFFFD800  }
0x7d: {  	[tilespmem:s2], [sflag:s0] =	stream.indirect.gather [hbm4b:s4+s15], $0x80, s30, s15, $0xb8;
	[tilespmem:$0x1FA00] =	vst v63  }
0x7e: {  	_ = 	snop  }
.LBB2_19:
0x7f: {  	_ =	sfence.sel $0x180000  }
0x80: {  	[bflag:$0x0] =	sbarrier.arrive $0xFFFF  }
0x81: {  	_ =	strace $0x9000004A  }
0x82: {  	s0 =	stileid.u32;
	[bflag:$0x2] =	sbarrier.arrive $0xFFFF  }
0x83: {  	p0 =	sne.s32 s0, $0x0;
	s0 =	rddreg [dreg:$0x2]  }
0x84: {  	s0 =	sadd.s32 @!p0 $0x100000, s0  }
0x85: {  	[sflag:s0] =	ssyncadd.tile.s32 @!p0 $0x1;
	_ =	shalt  }
.Lfunc_end2:
_tile_overlayer_lowered:
.L_overlay_start_2:
0x86: {  	(tag) =	ssettag $0x2  }
0x87: {  	s0 =	rddreg [dreg:$0x0];
	s2 =	stileid.u32  }
0x88: {  	s1 =	rddreg [dreg:$0x1];
	p0 =	sne.s32 s2, $0x0  }
0x89: {  	s3 =	rddreg [dreg:$0x2];
	[bflag:$0x3] =	sbarrier.arrive $0xFFFF;
	s2 =	simm.s32 @!p0 $0x1C0B  }
0x8a: {  	[timem:s3], [sflag:s2] =	dma.local @!p0 [hbm:s0], s1  }
0x8b: {  	s0 =	simm.s32 @!p0 $0xB  }
0x8c: {  	_ =	swait.ge @!p0 [sflag:s0], s1  }
0x8d: {  	s1 =	ssub.s32 @!p0 $0x0, s1;
	[sflag:s0] =	ssyncset.done @!p0 $0x0  }
0x8e: {  	[sflag:s0] =	ssyncadd.s32 @!p0 s1  }
0x8f: {  	[bflag:$0x3] =	sbarrier.arrive $0xFFFF  }
0x90: {  	_ =	shalt  }

// kernel: kernel.8.cloned.1.call-start
scs
__scs_entry_jumppad:
0x0: {  	(pc) =	sbr.rel $0x88, $3  }
0x1: {  	(tag) =	ssettag $0x0;
	lr =	simm.s32 $0x1  }
0x2: {  	[smem:$0x3F95] =	sst lr;
	_ =	strace $0xD0000000  }
0x3: {  	_ = 	snop  }
0x4: {  	_ = 	snop  }
0x5: {  	_ = 	snop  }
0x6: {  	_ = 	snop  }
0x7: {  	_ = 	snop  }
__scs_overlays_trampoline_lowered:
0x8: {  	[smem:$0x3FA4] =	sst s0  }
0x9: {  	[smem:$0x3FA5] =	sst s1  }
0xa: {  	[smem:$0x3FA6] =	sst s2  }
0xb: {  	[smem:$0x3FA7] =	sst s3  }
0xc: {  	[smem:$0x3FA8] =	sst s4  }
0xd: {  	[smem:$0x3FA9] =	sst s5  }
0xe: {  	[smem:$0x3FAA] =	sst s6  }
0xf: {  	[smem:$0x3FAB] =	sst s7  }
0x10: {  	[smem:$0x3FAC] =	sst s8  }
0x11: {  	[smem:$0x3FAD] =	sst s9;
	s0 =	simm.s32 @!p0 $0x0  }
0x12: {  	s1 =	sld [smem:$0x3F93];
	s0 =	simm.s32 @p0 $0x1  }
0x13: {  	[smem:$0x3FAE] =	sst s0;
	s0 =	simm.s32 @!p1 $0x0  }
0x14: {  	s2 =	sld [smem:$0x3F92];
	s0 =	simm.s32 @p1 $0x1  }
0x15: {  	[smem:$0x3FAF] =	sst s0;
	s0 =	simm.s32 @!p2 $0x0  }
0x16: {  	s3 =	sld [smem:$0x3FDB];
	s0 =	simm.s32 @p2 $0x1  }
0x17: {  	s4 =	simm.s32 $0x1BF5;
	[smem:$0x3FB1] =	sst s0  }
0x18: {  	s0 =	sld [smem:$0x3F94];
	_ =	swait.ge [sflag:s4], $0x0  }
0x19: {  	s7 =	sld [smem:$0x3F95]  }
0x1a: {  	s8 =	sadd.s32 $0xFFFFE003, lr  }
0x1b: {  	s9 =	sadd.s32 $0xFFFFFEF7, lr;
	s5 =	simm.s32 $0xFFFFFFFF;
	p2 =	slt.u32 s8, $0xFFFFF086  }
0x1c: {  	p1 =	slt.u32 s9, $0xF7A;
	s5 =	simm.s32 @!p2 $0x0  }
0x1d: {  	s5 =	simm.s32 @p1 $0x1;
	p0 =	seq.s32 s7, s2  }
0x1e: {  	s7 =	smul.u32 @!p0 $0xF7A, s2;
	p2 =	seq.s32 @!p0 s5, $0x0  }
0x1f: {  	s9 =	smul.u32 $0xF7A, s1;
	s8 =	simm.s32 @!p0 $0x1BF5;
	p2 =	por !p2, p0  }
0x20: {  	[sflag:s8] =	ssyncset.s32 @!p0 $0xFFFFF086;
	s6 =	sadd.s32 @!p0 s3, s7;
	s7 =	simm.s32 @!p0 $0x108  }
0x21: {  	s3 =	sadd.s32 s3, s9;
	s6 =	sadd.s32 @!p0 $0x88, s6;
	s7 =	simm.s32 @p2 $0x1082  }
0x22: {  	[simem:s7], [sflag:s8] =	dma.local @!p0 [hbm:s6], $0xF7A  }
0x23: {  	s9 =	sor.u32 $0xD0000000, s2;
	s6 =	simm.s32 $0x108;
	_ =	swait.ge @!p0 [sflag:s8], $0x0  }
0x24: {  	s3 =	sadd.s32 $0x88, s3;
	s6 =	simm.s32 @!p1 $0x1082;
	[sflag:s4] =	ssyncset.s32 $0xFFFFF086  }
0x25: {  	[simem:s6], [sflag:s4] =	dma.local [hbm:s3], $0xF7A  }
0x26: {  	[smem:$0x3F95] =	sst s1;
	(tag) =	ssettag s2;
	_ =	strace s9  }
0x27: {  	s1 =	sld [smem:$0x3FA5]  }
0x28: {  	s2 =	sld [smem:$0x3FA6]  }
0x29: {  	s4 =	sld [smem:$0x3FA8]  }
0x2a: {  	p0 =	seq.s32 s5, $0x0;
	s5 =	sld [smem:$0x3FA9]  }
0x2b: {  	s6 =	sld [smem:$0x3FAA]  }
0x2c: {  	s7 =	sld [smem:$0x3FAB]  }
0x2d: {  	s3 =	simm.s32 $0x108;
	s8 =	sld [smem:$0x3FAC]  }
0x2e: {  	s3 =	simm.s32 @!p0 $0x1082;
	s9 =	sld [smem:$0x3FAD]  }
0x2f: {  	lr =	sadd.s32 s0, s3;
	s0 =	sld [smem:$0x3FA4]  }
0x30: {  	s3 =	sld [smem:$0x3FA7]  }
0x31: {  	[smem:$0x3FB0] =	sst s10  }
0x32: {  	s10 =	sld [smem:$0x3FAE];
	_ =	sdelay $0x3  }
0x33: {  	p0 =	seq.s32 s10, $0x1;
	s10 =	sld [smem:$0x3FB0];
	_ =	sdelay $0x3  }
0x34: {  	[smem:$0x3FB0] =	sst s10  }
0x35: {  	s10 =	sld [smem:$0x3FAF];
	_ =	sdelay $0x3  }
0x36: {  	p1 =	seq.s32 s10, $0x1;
	s10 =	sld [smem:$0x3FB0];
	_ =	sdelay $0x3  }
0x37: {  	[smem:$0x3FB0] =	sst s10  }
0x38: {  	s10 =	sld [smem:$0x3FB1]  }
0x39: {  	_ = 	snop;
	(pc) =	sbr.ind lr, $3  }
0x3a: {  	_ = 	snop  }
0x3b: {  	_ = 	snop  }
0x3c: {  	p2 =	seq.s32 s10, $0x1;
	s10 =	sld [smem:$0x3FB0]  }
0x3d: {  	_ =	shalt  }
0x3e: {  	_ =	shalt  }
0x3f: {  	_ =	shalt  }
0x40: {  	_ =	shalt  }
0x41: {  	_ =	shalt  }
0x42: {  	_ =	shalt  }
0x43: {  	_ =	shalt  }
0x44: {  	_ =	shalt  }
0x45: {  	_ =	shalt  }
0x46: {  	_ =	shalt  }
0x47: {  	_ =	shalt  }
0x48: {  	_ =	shalt  }
0x49: {  	_ =	shalt  }
0x4a: {  	_ =	shalt  }
0x4b: {  	_ =	shalt  }
0x4c: {  	_ =	shalt  }
0x4d: {  	_ =	shalt  }
0x4e: {  	_ =	shalt  }
0x4f: {  	_ =	shalt  }
0x50: {  	_ =	shalt  }
0x51: {  	_ =	shalt  }
0x52: {  	_ =	shalt  }
0x53: {  	_ =	shalt  }
0x54: {  	_ =	shalt  }
0x55: {  	_ =	shalt  }
0x56: {  	_ =	shalt  }
0x57: {  	_ =	shalt  }
0x58: {  	_ =	shalt  }
0x59: {  	_ =	shalt  }
0x5a: {  	_ =	shalt  }
0x5b: {  	_ =	shalt  }
0x5c: {  	_ =	shalt  }
0x5d: {  	_ =	shalt  }
0x5e: {  	_ =	shalt  }
0x5f: {  	_ =	shalt  }
0x60: {  	_ =	shalt  }
0x61: {  	_ =	shalt  }
0x62: {  	_ =	shalt  }
0x63: {  	_ =	shalt  }
0x64: {  	_ =	shalt  }
0x65: {  	_ =	shalt  }
0x66: {  	_ =	shalt  }
0x67: {  	_ =	shalt  }
0x68: {  	_ =	shalt  }
0x69: {  	_ =	shalt  }
0x6a: {  	_ =	shalt  }
0x6b: {  	_ =	shalt  }
0x6c: {  	_ =	shalt  }
0x6d: {  	_ =	shalt  }
0x6e: {  	_ =	shalt  }
0x6f: {  	_ =	shalt  }
0x70: {  	_ =	shalt  }
0x71: {  	_ =	shalt  }
0x72: {  	_ =	shalt  }
0x73: {  	_ =	shalt  }
0x74: {  	_ =	shalt  }
0x75: {  	_ =	shalt  }
0x76: {  	_ =	shalt  }
0x77: {  	_ =	shalt  }
0x78: {  	_ =	shalt  }
0x79: {  	_ =	shalt  }
0x7a: {  	_ =	shalt  }
0x7b: {  	_ =	shalt  }
0x7c: {  	_ =	shalt  }
0x7d: {  	_ =	shalt  }
0x7e: {  	_ =	shalt  }
0x7f: {  	_ =	shalt  }
0x80: {  	_ =	shalt  }
0x81: {  	_ =	shalt  }
0x82: {  	_ =	shalt  }
0x83: {  	_ =	shalt  }
0x84: {  	_ =	shalt  }
0x85: {  	_ =	shalt  }
0x86: {  	_ =	shalt  }
0x87: {  	_ =	shalt  }
.Lfunc_end0:
.L_simem_size_0:
called_computation_lowered:
.L_overlay_start_0:
0x88: {  	s2 =	sld [smem:$0x3FD9]  }
0x89: {  	s3 =	sld [smem:$0x3FFE];
	_ =	sdelay $0x1  }
0x8a: {  	s1 =	srdreg.scid  }
0x8b: {  	s0 =	sand.u32 $0x1, s1  }
0x8c: {  	s17 =	sshll.u32 s0, $0xA;
	s2 =	sadd.s32 s3, s2  }
0x8d: {  	s2 =	sadd.s32 s2, s17  }
0x8e: {  	[smem:$0x3FBC] =	sst s2  }
0x8f: {  	_ = 	snop  }
0x90: {  	s2 =	sld [smem:$0x3FC9];
	(tm) =	ssettm $0x1  }
0x91: {  	s18 =	sld [smem:$0x3FFB];
	_ =	sdelay $0x3  }
0x92: {  	_ =	strace s18  }
0x93: {  	s3 =	sld [smem:$0x3FFC];
	_ =	sdelay $0x3  }
0x94: {  	_ =	strace s3  }
0x95: {  	s3 =	sld [smem:$0x3FFD];
	_ =	sdelay $0x3  }
0x96: {  	_ =	strace s3  }
0x97: {  	_ =	strace $0x8FFFFFFF  }
0x98: {  	s19 =	sld [smem:$0x3FDB];
	_ =	sdelay $0x1  }
0x99: {  	s4 =	simm.s32 $_scs_section_size  }
0x9a: {  	s5 =	simm.s32 $_size__tile_overlayer_lowered;
	s6 =	simm.s32 $_tile_overlayer_lowered  }
0x9b: {  	s22 =	simm.s32 $0x1BFF;
	s21 =	sshll.u32 s6, $0x1;
	s3 =	sadd.s32 s4, s19  }
0x9c: {  	s7 =	simm.s32 $0x0;
	s20 =	sshll.u32 s5, $0x1;
	s5 =	sadd.s32 s21, s3  }
0x9d: {  	[timem:s7], [sflag:s22] =	dma.local [hbm:s5], s20  }
0x9e: {  	_ =	swait.ge [sflag:s22], s20  }
0x9f: {  	s4 =	ssub.s32 $0x0, s20;
	[sflag:s22] =	ssyncset.done $0x0  }
0xa0: {  	[sflag:s22] =	ssyncadd.s32 s4;
	_ =	sdelay $0x1  }
0xa1: {  	s23 =	simm.s32 $0x1B8B  }
0xa2: {  	_ =	swait.ge [sflag:s23], $0x1  }
0xa3: {  	[sflag:s23] =	ssyncset.done $0x0  }
0xa4: {  	s25 =	simm.s32 $0x1B8E;
	s24 =	sld [smem:$0x3FFE];
	[sflag:s23] =	ssyncadd.s32 $0xFFFFFFFF  }
0xa5: {  	s26 =	simm.s32 $execute0_lowered;
	[smem:$0x3FD2] =	sst s25  }
0xa6: {  	s5 =	sshll.u32 s26, $0x1;
	_ =	strace $0x80000046;
	[dreg:$0x1] =	wrdreg $0xFFFFFFFF  }
0xa7: {  	s28 =	simm.s32 $_size_execute0_lowered;
	s3 =	sadd.s32 s3, s5;
	[dreg:$0x0] =	wrdreg $0x0  }
0xa8: {  	s5 =	sshll.u32 s28, $0x1;
	[dreg:$0x2] =	wrdreg s3  }
0xa9: {  	[dreg:$0x3] =	wrdreg s5  }
0xaa: {  	[dreg:$0x4] =	wrdreg $0xC0  }
0xab: {  	_ =	task [dreg:s7], $0x5FFFF  }
0xac: {  	[dreg:$0x1] =	wrdreg $0xFFFFFFFF  }
0xad: {  	[dreg:$0x0] =	wrdreg $0x60  }
0xae: {  	[dreg:$0x2] =	wrdreg s2  }
0xaf: {  	[dreg:$0x3] =	wrdreg s24  }
0xb0: {  	[dreg:$0x4] =	wrdreg $0xBE000  }
0xb1: {  	[dreg:$0x5] =	wrdreg $0x9  }
0xb2: {  	_ =	task.clear_ibuf [dreg:s7], $0x6FFFF;
	_ =	strace $0x90000046  }
0xb3: {  	s29 =	simm.s32 $0x9;
	_ =	strace $0x80000048  }
0xb4: {  	_ =	swait.ge [sflag:s29], $0x1  }
0xb5: {  	[sflag:s29] =	ssyncadd.s32 $0xFFFFFFFF  }
0xb6: {  	_ =	strace $0x90000048  }
0xb7: {  	_ =	sfence  }
0xb8: {  	s30 =	sld [smem:$0x0];
	_ =	sdelay $0x2  }
0xb9: {  	s31 =	sshll.u32 s1, $0xD;
	s1 =	sshrl.u32 s1, $0x2  }
0xba: {  	s3 =	sand.u32 $0x4000, s31;
	s1 =	sadd.s32 s1, s30  }
0xbb: {  	s0 =	sor.u32 s3, s0;
	s1 =	sshll.u32 s1, $0x11  }
0xbc: {  	s0 =	sor.u32 s1, s0  }
0xbd: {  	s0 =	sadd.s32 $0x8F2B, s0  }
0xbe: {  	[sflag:s0] =	ssyncadd.remote.s32 $0x1  }
0xbf: {  	_ =	sfence.sel $0xFFFF  }
0xc0: {  	[dreg:$0x0] =	wrdreg $0xFFFFFFFF;
	(pc) =	sbr.abs _section_cstart, $3  }
0xc1: {  	[dreg:$0x1] =	wrdreg $0xFFFFFFFF  }
0xc2: {  	_ =	task.clear_ibuf [dreg:s7], $0x2FFFF;
	_ =	strace $0x9FFFFFFF  }
0xc3: {  	(tm) =	ssettm $0x7FFFFFFF  }
tec
execute0_lowered:
.L_overlay_start_1:
0x0: {  	(tag) =	ssettag $0x1  }
0x1: {  	s1 =	rddreg [dreg:$0x0]  }
0x2: {  	s0 =	rddreg [dreg:$0x1]  }
0x3: {  	s3 =	rddreg [dreg:$0x2];
	s2 =	srdreg.scid  }
0x4: {  	s10 =	stileid.u32;
	s4 =	simm.s32 $0x0;
	s13 =	simm.s32 $0xB  }
0x5: {  	s14 =	simm.s32 $0x80;
	s15 =	simm.s32 $0x50;
	s16 =	simm.s32 $0x4200  }
0x6: {  	s17 =	simm.s32 $0x6A00;
	s18 =	simm.s32 $0x100;
	s19 =	simm.s32 $0xA  }
0x7: {  	s20 =	simm.s32 $0xBA00;
	s21 =	simm.s32 $0x5;
	s22 =	simm.s32 $0x4  }
0x8: {  	s23 =	simm.s32 $0x6;
	s24 =	simm.s32 $0x0;
	s6 =	smul.u32 $0x13C00, s10  }
0x9: {  	s2 =	sand.u32 $0x1, s2;
	[smem:$0x7FF] =	sst s4;
	s8 =	smul.u32 $0x4F000, s10  }
0xa: {  	s12 =	sadd.s32 $0x3000, s0;
	s5 =	smul.u32 $0x13C000, s2;
	s7 =	sshll.u32 s2, $0x4  }
0xb: {  	_ =	strace $0x80000047;
	s9 =	ssub.s32 $0x2, s2;
	s2 =	smul.u32 $0x27100, s2  }
0xc: {  	s7 =	sor.u32 s10, s7;
	s30 =	sshrl.u32 s9, $0x1;
	s10 =	smul.u32 $0x2710, s10  }
0xd: {  	s8 =	sshrl.u32 s8, $0x2;
	s5 =	sadd.s32 s6, s5;
	s26 =	smul.u32 $0x2710, s7  }
0xe: {  	s11 =	ssub.s32 s9, s30;
	s8 =	sadd.s32 s8, s3;
	s28 =	sshrl.u32 s5, $0x3  }
.Ltmp0:
0xf: {  	s2 =	sadd.s32 s10, s2;
	s29 =	sshrl.u32 s26, $0x3;
	(pc) =	sbr.rel .LBB2_1-.Ltmp0, $4  }
0x10: {  	s0 =	sadd.s32 s28, s0;
	s10 =	sadd.s32 $0x4E200, s2;
	s2 =	sadd.s32 $0xF0, s2  }
0x11: {  	s5 =	sadd.s32 s12, s29;
	s9 =	sadd.s32 $0x16A00, s0;
	s31 =	sshrl.u32 s10, $0x3  }
0x12: {  	s2 =	sshrl.u32 s2, $0x3;
	s10 =	smax.u32 s11, $0x1;
	s6 =	sadd.s32 $0xA, s5  }
0x13: {  	v0 =	vimm.f32 $0.0e+00;
	s7 =	sadd.s32 $0x14, s5;
	s11 =	sadd.s32 s31, s12;
	s12 =	sadd.s32 s2, s12  }
.LBB2_18:
0x14: {  	_ =	swait.ge [sflag:s21], $0x2800  }
0x15: {  	[sflag:s21] =	ssyncset.done $0x0  }
0x16: {  	[sflag:s21] =	ssyncadd.s32 $0xFFFFD800  }
0x17: {  	_ =	swait.ge [sflag:s22], $0x2800  }
0x18: {  	[sflag:s22] =	ssyncset.done $0x0  }
0x19: {  	[sflag:s22] =	ssyncadd.s32 $0xFFFFD800  }
0x1a: {  	s0 =	stileid.u32;
	_ =	swait.ge [sflag:s23], $0x2800  }
0x1b: {  	s2 =	sshrl.u32 s8, $0x3;
	s24 =	sadd.s32 $0x1, s24;
	[sflag:s23] =	ssyncset.done $0x0  }
0x1c: {  	s0 =	sshll.u32 s0, $0x6;
	p0 =	sne.s32 s24, s10;
	[sflag:s23] =	ssyncadd.s32 $0xFFFFD800  }
.Ltmp1:
0x1d: {  	s0 =	sor.u32 $0x1C0B, s0;
	[bflag:$0x0] =	sbarrier.arrive $0xFFFF;
	(pc) =	sbr.rel @!p0 .LBB2_19-.Ltmp1, $4  }
0x1e: {  	[hbm:s9], [sflag:s0] =	dma.local [spmem:s2], $0x2780  }
0x1f: {  	_ =	swait.ge [sflag:s13], $0x2780  }
0x20: {  	[sflag:s13] =	ssyncset.done $0x0  }
0x21: {  	[sflag:s13] =	ssyncadd.s32 $0xFFFFD880  }
.LBB2_1:
0x22: {  	[tilespmem:s4], [sflag:$0xB] =	stream.linear.gather [hbm4b:s5+s4], $0x50, $0x38;
	[tilespmem:$0x1FA00] =	vst v63  }
0x23: {  	_ =	swait.ge [sflag:s13], $0x50  }
0x24: {  	[sflag:s13] =	ssyncset.done $0x0  }
0x25: {  	[sflag:s13] =	ssyncadd.s32 $0xFFFFFFB0  }
0x26: {  	[tilespmem:s14], [sflag:$0xB] =	stream.linear.gather [hbm4b:s6+s4], $0x50, $0x38;
	[tilespmem:$0x1FA00] =	vst v63  }
0x27: {  	_ =	swait.ge [sflag:s13], $0x50  }
0x28: {  	[sflag:s13] =	ssyncset.done $0x0  }
0x29: {  	[sflag:s13] =	ssyncadd.s32 $0xFFFFFFB0  }
0x2a: {  	[tilespmem:s16], [sflag:$0x1] =	stream.indirect.gather [hbm4b:s1+s15], $0x80, s4, s15, $0xb8;
	[tilespmem:$0x1FA00] =	vst v63  }
0x2b: {  	_ = 	snop  }
0x2c: {  	[tilespmem:s17], [sflag:$0x2] =	stream.indirect.gather [hbm4b:s1+s15], $0x80, s14, s15, $0xb8;
	[tilespmem:$0x1FA00] =	vst v63  }
0x2d: {  	s0 =	simm.s32 $0x200;
	s2 =	simm.s32 $0x0  }
0x2e: {  	[tilespmem:s18], [sflag:$0x9] =	stream.linear.gather [hbm4b:s7+s4], $0x50, $0x38;
	[tilespmem:$0x1FA00] =	vst v63  }
.LBB2_2:
0x2f: {  	p0 =	sne.s32 s2, $0x4D8  }
.Ltmp2:
0x30: {  	_ = 	snop;
	(pc) =	sbr.rel @p0 .LBB2_2-.Ltmp2, $4  }
0x31: {  	_ = 	snop  }
0x32: {  	s25 =	sadd.s32 s2, s11  }
0x33: {  	[tilespmem:s0], [sflag:$0xA] =	stream.linear.gather [hbm4b:s25+s4], $0x50, $0x38;
	[tilespmem:$0x1FA00] =	vst v63  }
0x34: {  	s2 =	sadd.s32 $0xA, s2;
	s0 =	sadd.s32 $0x80, s0  }
0x35: {  	_ =	swait.ge [sflag:s19], $0x50  }
0x36: {  	s26 =	simm.s32 $0x7C;
	[sflag:s19] =	ssyncset.done $0x0  }
.LBB2_4:
0x37: {  	p0 =	sne.s32 s26, $0x1;
	s26 =	sadd.s32 $0xFFFFFFFF, s26;
	[sflag:s19] =	ssyncadd.s32 $0xFFFFFFB0  }
.Ltmp3:
0x38: {  	(pc) =	sbr.rel @p0 .LBB2_4-.Ltmp3, $3  }
0x39: {  	_ =	sdelay $0x1  }
0x3a: {  	_ =	swait.ge [sflag:s19], $0x50  }
0x3b: {  	s25 =	simm.s32 $0x0;
	[sflag:s19] =	ssyncset.done $0x0  }
0x3c: {  	s0 =	sand.u32 $0xE00, s25  }
0x3d: {  	[sflag:s19] =	ssyncadd.s32 $0xFFFFFFB0;
	s2 =	sand.u32 $0x70, s25;
	s0 =	sshrl.u32 s0, $0x2  }
0x3e: {  	s26 =	simm.s32 $0x40;
	s28 =	simm.s32 $0x0;
	s0 =	sor.u32 s2, s0  }
.LBB2_6:
0x3f: {  	p0 =	sne.s32 s26, $0xFC0  }
0x40: {  	[tilespmem:s0+$0xBA00] =	vst v0;
	s28 =	sadd.s32 $0x10, s28;
	s0 =	smov.u32 s26;
	s26 =	sadd.s32 $0x40, s26  }
.Ltmp4:
0x41: {  	(pc) =	sbr.rel @p0 .LBB2_6-.Ltmp4, $4  }
0x42: {  	_ = 	snop  }
0x43: {  	s0 =	sand.u32 $0xE00, s0  }
0x44: {  	s2 =	sand.u32 $0x70, s28;
	s0 =	sshrl.u32 s0, $0x2  }
0x45: {  	s0 =	sor.u32 s2, s0  }
0x46: {  	[tilespmem:s0+$0xBA00] =	vst v0  }
.LBB2_8:
0x47: {  	p0 =	sne.s32 s25, $0x4E000  }
.Ltmp5:
0x48: {  	_ = 	snop;
	(pc) =	sbr.rel @p0 .LBB2_8-.Ltmp5, $4  }
0x49: {  	_ = 	snop  }
0x4a: {  	s0 =	sshra.s32 s25, $0x2  }
0x4b: {  	s25 =	sadd.s32 $0x1000, s25;
	s0 =	sadd.s32 s0, s8  }
0x4c: {  	[spmem:s0] =	stream.linear.scatter [tilespmem:s20], [sflag:$0xA], $0x400, $0x38;
	[tilespmem:$0x1FA00] =	vst v63  }
0x4d: {  	_ =	swait.ge [sflag:s19], $0x400  }
0x4e: {  	s25 =	simm.s32 $0x4E;
	[sflag:s19] =	ssyncset.done $0x0  }
.LBB2_10:
0x4f: {  	p0 =	sne.s32 s25, $0x1;
	s25 =	sadd.s32 $0xFFFFFFFF, s25;
	[sflag:s19] =	ssyncadd.s32 $0xFFFFFC00  }
.Ltmp6:
0x50: {  	(pc) =	sbr.rel @p0 .LBB2_10-.Ltmp6, $3  }
0x51: {  	_ =	sdelay $0x1  }
0x52: {  	_ =	swait.ge [sflag:s19], $0x400  }
0x53: {  	[sflag:s19] =	ssyncset.done $0x0  }
.Ltmp7:
0x54: {  	(pc) =	sbr.rel .LBB2_12-.Ltmp7, $4  }
0x55: {  	_ = 	snop  }
0x56: {  	[sflag:s19] =	ssyncadd.s32 $0xFFFFFC00  }
0x57: {  	[bflag:$0x0] =	sbarrier.arrive $0xFFFF  }
0x58: {  	s25 =	simm.s32 $0x0;
	s26 =	simm.s32 $0x200;
	s28 =	smov.u32 s12  }
.LBB2_14:
0x59: {  	s2 =	sadd.s32 $0x4200, s2  }
0x5a: {  	[tilespmem:s2], [sflag:s0] =	stream.indirect.gather [hbm4b:s1+s15], $0x80, s30, s15, $0xb8;
	[tilespmem:$0x1FA00] =	vst v63  }
.LBB2_16:
0x5b: {  	s0 =	sshll.u32 s29, $0x7;
	s2 =	sadd.s32 $0x7, s29  }
0x5c: {  	[tilespmem:s0], [sflag:s2] =	stream.linear.gather [hbm4b:s28+s4], $0x50, $0x38;
	[tilespmem:$0x1FA00] =	vst v63  }
.LBB2_17:
0x5d: {  	s25 =	sadd.s32 $0x1, s25  }
0x5e: {  	p0 =	sne.s32 s25, $0x7D  }
.Ltmp8:
0x5f: {  	_ = 	snop;
	(pc) =	sbr.rel @!p0 .LBB2_18-.Ltmp8, $2  }
0x60: {  	_ =	sdelay $0x2  }
0x61: {  	s28 =	sadd.s32 $0xA, s28;
	s26 =	sadd.s32 $0x80, s26  }
.LBB2_12:
0x62: {  	s0 =	smul.u32 $0xAB, s25;
	_ =	sdelay $0x1  }
0x63: {  	s0 =	sshrl.u32 s0, $0x9  }
0x64: {  	s0 =	sand.u32 $0x7F, s0  }
0x65: {  	s0 =	smul.u32 $0x3, s0;
	_ =	sdelay $0x1  }
0x66: {  	s0 =	ssub.s32 s25, s0  }
0x67: {  	s29 =	sand.u32 $0xFF, s0  }
0x68: {  	p0 =	sgt.u32 s25, $0x7A;
	s0 =	smul.u32 $0xA000, s29  }
.Ltmp9:
0x69: {  	s2 =	sadd.s32 $0x1, s29;
	(pc) =	sbr.rel @p0 .LBB2_17-.Ltmp9, $4  }
0x6a: {  	_ =	swait.ge [sflag:s2], $0x2800  }
0x6b: {  	s0 =	sshrl.u32 s0, $0x2;
	[sflag:s2] =	ssyncset.done $0x0  }
0x6c: {  	s31 =	sor.u32 $0x4, s29;
	s0 =	sadd.s32 $0x4200, s0;
	[sflag:s2] =	ssyncadd.s32 $0xFFFFD800  }
0x6d: {  	[spmem:s3] =	stream.indirect.scatter.add.f32 [tilespmem:s0], [sflag:s31], $0x80, s26, s15, $0xb8;
	[tilespmem:$0x1FA00] =	vst v63  }
0x6e: {  	s0 =	sadd.s32 $0x2, s25  }
0x6f: {  	s2 =	sand.u32 $0xFF, s0  }
0x70: {  	s2 =	smul.u32 $0xAB, s2;
	_ =	sdelay $0x1  }
0x71: {  	s2 =	sshrl.u32 s2, $0x9  }
0x72: {  	s2 =	smul.u32 $0x3, s2;
	_ =	sdelay $0x1  }
0x73: {  	p0 =	sne.s32 s25, $0x0;
	s0 =	ssub.s32 s0, s2  }
.Ltmp10:
0x74: {  	s31 =	sand.u32 $0xFF, s0;
	(pc) =	sbr.rel @!p0 .LBB2_14-.Ltmp10, $4  }
0x75: {  	s0 =	sadd.s32 $0x7, s31  }
0x76: {  	s2 =	smul.u32 $0xA000, s31;
	_ =	swait.ge [sflag:s0], $0x50  }
0x77: {  	s30 =	sshll.u32 s31, $0x7;
	[sflag:s0] =	ssyncset.done $0x0  }
0x78: {  	s2 =	sshrl.u32 s2, $0x2;
	[sflag:s0] =	ssyncadd.s32 $0xFFFFFFB0;
	s0 =	sadd.s32 $0x1, s31  }
0x79: {  	p0 =	seq.s32 s25, $0x7A  }
.Ltmp11:
0x7a: {  	s31 =	sadd.s32 $0x4, s31;
	(pc) =	sbr.rel @p0 .LBB2_17-.Ltmp11, $4  }
.Ltmp12:
0x7b: {  	_ =	swait.ge [sflag:s31], $0x2800;
	(pc) =	sbr.rel @!p0 .LBB2_16-.Ltmp12, $4  }
0x7c: {  	[sflag:s31] =	ssyncset.done $0x0  }
0x7d: {  	s2 =	sadd.s32 $0x4200, s2;
	[sflag:s31] =	ssyncadd.s32 $0xFFFFD800  }
0x7e: {  	[tilespmem:s2], [sflag:s0] =	stream.indirect.gather [hbm4b:s1+s15], $0x80, s30, s15, $0xb8;
	[tilespmem:$0x1FA00] =	vst v63  }
0x7f: {  	_ = 	snop  }
.LBB2_19:
0x80: {  	_ =	sfence.sel $0x180000  }
0x81: {  	[bflag:$0x0] =	sbarrier.arrive $0xFFFF  }
0x82: {  	_ =	strace $0x90000047  }
0x83: {  	s0 =	stileid.u32;
	[bflag:$0x2] =	sbarrier.arrive $0xFFFF  }
0x84: {  	p0 =	sne.s32 s0, $0x0;
	s0 =	rddreg [dreg:$0x3]  }
0x85: {  	s0 =	sadd.s32 @!p0 $0x100000, s0  }
0x86: {  	[sflag:s0] =	ssyncadd.tile.s32 @!p0 $0x1;
	_ =	shalt  }
.Lfunc_end2:
_tile_overlayer_lowered:
.L_overlay_start_2:
0x87: {  	(tag) =	ssettag $0x2  }
0x88: {  	s0 =	rddreg [dreg:$0x0];
	s2 =	stileid.u32  }
0x89: {  	s1 =	rddreg [dreg:$0x1];
	p0 =	sne.s32 s2, $0x0  }
0x8a: {  	s3 =	rddreg [dreg:$0x2];
	[bflag:$0x3] =	sbarrier.arrive $0xFFFF;
	s2 =	simm.s32 @!p0 $0x1C0B  }
0x8b: {  	[timem:s3], [sflag:s2] =	dma.local @!p0 [hbm:s0], s1  }
0x8c: {  	s0 =	simm.s32 @!p0 $0xB  }
0x8d: {  	_ =	swait.ge @!p0 [sflag:s0], s1  }
0x8e: {  	s1 =	ssub.s32 @!p0 $0x0, s1;
	[sflag:s0] =	ssyncset.done @!p0 $0x0  }
0x8f: {  	[sflag:s0] =	ssyncadd.s32 @!p0 s1  }
0x90: {  	[bflag:$0x3] =	sbarrier.arrive $0xFFFF  }
0x91: {  	_ =	shalt  }

</sc_bundles>
